<compile_context>
chip_gen: v7x
topology: tpu7x:2x2x1
jax: 0.10.2.dev20260603
libtpu: 0.0.44.dev20260713+nightly
codegen_flags: <defaults>
</compile_context>

<pallas_src>
import functools

import jax
import jax.numpy as jnp
from jax import lax
from jax.experimental import pallas as pl
from jax.experimental.pallas import tpu as pltpu
from jax.experimental.pallas import tpu_sc as plsc

_NC = 2
_NS = 16
_NW = _NC * _NS
_CHUNK = 128
_NBUF = 2


def _segment_sum_sc(x, zeros, src1, dst3, n, d):
    ch = dst3.shape[1]
    epw = ch * _CHUNK
    rows_per_tile = (n // _NS) // 8 * 8
    tail_row0 = rows_per_tile * _NS
    tail_rows = n - tail_row0

    mesh = plsc.VectorSubcoreMesh(core_axis_name="c", subcore_axis_name="s")

    @functools.partial(
        pl.kernel,
        out_type=jax.ShapeDtypeStruct((_NC, n, d), jnp.float32),
        mesh=mesh,
        scratch_types=[
            pltpu.VMEM((epw,), jnp.int32),
            pltpu.VMEM((ch // 2, _CHUNK), jnp.int32),
            pltpu.VMEM((_NBUF, _CHUNK, d), jnp.float32),
            pltpu.VMEM_SHARED((n, d), jnp.float32),
            [pltpu.SemaphoreType.DMA] * _NBUF,
            [pltpu.SemaphoreType.DMA] * _NBUF,
        ],
    )
    def seg_sum(x_hbm, z_hbm, src_hbm, dst_hbm, out_hbm,
                src_v, dst_v, rows_v, acc_sh, sems, ssems):
        rows = [rows_v.at[b] for b in range(_NBUF)]
        cid = lax.axis_index("c")
        sid = lax.axis_index("s")
        wid = sid * _NC + cid
        row0 = sid * rows_per_tile
        pltpu.sync_copy(z_hbm.at[pl.ds(row0, rows_per_tile)],
                        acc_sh.at[pl.ds(row0, rows_per_tile)])

        @pl.when(sid == _NS - 1)
        def _zero_tail():
            pltpu.sync_copy(z_hbm.at[pl.ds(tail_row0, tail_rows)],
                            acc_sh.at[pl.ds(tail_row0, tail_rows)])

        hch = ch // 2
        pltpu.sync_copy(src_hbm.at[pl.ds(wid * epw, epw)], src_v)
        pltpu.sync_copy(dst_hbm.at[wid, pl.ds(0, hch)], dst_v)
        plsc.subcore_barrier()

        def src_idx(j):
            return src_v.at[pl.ds(pl.multiple_of(j * _CHUNK, 8), _CHUNK)]

        for b in range(_NBUF - 1):
            pltpu.async_copy(x_hbm.at[src_idx(b)], rows[b], sems[b])

        def body(k, carry):
            j0 = k * _NBUF
            for b in range(_NBUF):
                j = j0 + b
                nxt = j + _NBUF - 1
                nb = (b + _NBUF - 1) % _NBUF

                @pl.when(nxt < ch)
                def _start_next():
                    @pl.when(nxt >= _NBUF)
                    def _drain_prev_scatter():
                        pltpu.make_async_copy(
                            rows[nb], acc_sh.at[dst_v.at[0]], ssems[nb]).wait()

                    pltpu.async_copy(x_hbm.at[src_idx(nxt)], rows[nb],
                                     sems[nb])

                pltpu.make_async_copy(x_hbm.at[src_idx(j)], rows[b],
                                      sems[b]).wait()

                @pl.when(j == hch)
                def _reload_dst():
                    pltpu.sync_copy(dst_hbm.at[wid, pl.ds(hch, hch)], dst_v)

                jj = lax.select(j >= hch, j - hch, j)
                pltpu.async_copy(rows[b], acc_sh.at[dst_v.at[jj]], ssems[b],
                                 add=True)
            return carry

        lax.fori_loop(0, ch // _NBUF, body, 0)
        for b in range(_NBUF):
            pltpu.make_async_copy(rows[b], acc_sh.at[dst_v.at[0]],
                                  ssems[b]).wait()
        plsc.subcore_barrier()
        pltpu.sync_copy(acc_sh.at[pl.ds(row0, rows_per_tile)],
                        out_hbm.at[cid, pl.ds(row0, rows_per_tile)])

        @pl.when(sid == _NS - 1)
        def _out_tail():
            pltpu.sync_copy(acc_sh.at[pl.ds(tail_row0, tail_rows)],
                            out_hbm.at[cid, pl.ds(tail_row0, tail_rows)])

    return seg_sum(x, zeros, src1, dst3)


def _mlp_fused_tc(p, x, w1t, b1, w2t, b2, eps, pad_total, n, d):
    blk = 5000
    grid = (n // blk,)

    def body(eps_ref, p_ref, x_ref, w1_ref, b1_ref, w2_ref, b2_ref, o_ref):
        scale = 1.0 + eps_ref[0]
        if pad_total:
            row = (lax.broadcasted_iota(jnp.int32, (blk, d), 0)
                   + pl.program_id(0) * blk)
            scale = scale - jnp.where(row < pad_total, 1.0, 0.0)
        y = p_ref[0] + p_ref[1] + scale * x_ref[...]
        h = jnp.dot(y, w1_ref[...], preferred_element_type=jnp.float32)
        h = jnp.maximum(h + b1_ref[...], 0.0)
        o = jnp.dot(h, w2_ref[...], preferred_element_type=jnp.float32)
        o_ref[...] = o + b2_ref[...]

    return pl.pallas_call(
        body,
        grid=grid,
        in_specs=[
            pl.BlockSpec(memory_space=pltpu.SMEM),
            pl.BlockSpec((2, blk, d), lambda i: (0, i, 0)),
            pl.BlockSpec((blk, d), lambda i: (i, 0)),
            pl.BlockSpec((d, d), lambda i: (0, 0)),
            pl.BlockSpec((1, d), lambda i: (0, 0)),
            pl.BlockSpec((d, d), lambda i: (0, 0)),
            pl.BlockSpec((1, d), lambda i: (0, 0)),
        ],
        out_specs=pl.BlockSpec((blk, d), lambda i: (i, 0)),
        out_shape=jax.ShapeDtypeStruct((n, d), jnp.float32),
    )(eps, p, x, w1t, b1, w2t, b2)


def kernel(x, edge_index, W1, b1, W2, b2, eps):
    n, d = x.shape
    e = edge_index.shape[1]
    src = edge_index[0].astype(jnp.int32)
    dst = edge_index[1].astype(jnp.int32)
    epw = e // _NW
    ch = 2 * (-(-epw // (2 * _CHUNK)))
    pad = ch * _CHUNK - epw
    pad_total = pad * _NW
    assert pad_total <= n, "pad self-loops must map to distinct nodes"
    pad_idx = (jnp.arange(_NW, dtype=jnp.int32)[:, None] * pad
               + jnp.arange(pad, dtype=jnp.int32)[None, :])
    src1 = jnp.concatenate([src.reshape(_NW, epw), pad_idx], 1).reshape(-1)
    dst3 = jnp.concatenate([dst.reshape(_NW, epw), pad_idx], 1).reshape(
        _NW, ch, _CHUNK)
    zeros = jnp.zeros((n, d), jnp.float32)
    w1t = W1.T
    p = _segment_sum_sc(x, zeros, src1, dst3, n, d)
    return _mlp_fused_tc(p, x, w1t, b1.reshape(1, d), W2.T, b2.reshape(1, d),
                         eps, pad_total, n, d)

# --- scband reference (transcript-rebuilt; emitter-appended) ---
"""Pipeline reference for scband-ginconv-29978871726577 (READ-ONLY COPY).

The authoritative reference and input builder live on the scoring server;
editing this copy changes nothing except your own understanding.
"""

import jax, jax.numpy as jnp
import numpy as np

N = 10000
E = 320000
D_IN = 128
D_OUT = 128

def setup_inputs(seed: int = 0) -> dict:
    key = jax.random.key(seed)
    k1, k2, k3, k4, k5, k6 = jax.random.split(key, 6)
    x = jax.random.normal(k1, (N, D_IN), dtype=jnp.float32)
    edge_index = jax.random.randint(k2, (2, E), 0, N, dtype=jnp.int64)
    # Linear layer params (PyTorch nn.Linear: weight [out, in], bias [out])
    bound1 = 1.0 / np.sqrt(D_IN)
    W1 = jax.random.uniform(k3, (D_OUT, D_IN), dtype=jnp.float32, minval=-bound1, maxval=bound1)
    b1 = jax.random.uniform(k4, (D_OUT,), dtype=jnp.float32, minval=-bound1, maxval=bound1)
    bound2 = 1.0 / np.sqrt(D_OUT)
    W2 = jax.random.uniform(k5, (D_OUT, D_OUT), dtype=jnp.float32, minval=-bound2, maxval=bound2)
    b2 = jax.random.uniform(k6, (D_OUT,), dtype=jnp.float32, minval=-bound2, maxval=bound2)
    eps = jnp.zeros((1,), dtype=jnp.float32)
    return {"x": x, "edge_index": edge_index, "W1": W1, "b1": b1, "W2": W2, "b2": b2, "eps": eps}

def reference(x, edge_index, W1, b1, W2, b2, eps):
    src = edge_index[0]
    dst = edge_index[1]
    # torch.spmm(adj, x) with binary adjacency: sum of neighbor features per dst node
    gathered = jnp.take(x, src, axis=0)
    y = jax.ops.segment_sum(gathered, dst, num_segments=N)
    h = y + (1.0 + eps) * x
    h = h @ W1.T + b1
    h = jax.nn.relu(h)
    h = h @ W2.T + b2
    # batchnorm=False, dropout=False in defaults -> no-ops
    return h

if __name__ == "__main__":
    import jax
    _d = setup_inputs()
    print(jax.jit(kernel)(*tuple(_d.values())))

</pallas_src>

<mosaic_0001>
#map = affine_map<(d0, d1) -> (0, 0)>
#map1 = affine_map<(d0, d1) -> (0)>
#map2 = affine_map<(d0, d1) -> (0, 0, 0)>
module attributes {stable_mosaic.version = 14 : i64} {
  func.func @seg_sum(%arg0: i32, %arg1: i32, %arg2: memref<10000x128xf32, #tpu.memory_space<hbm>>, %arg3: memref<10000x128xf32, #tpu.memory_space<hbm>>, %arg4: memref<327680xi32, #tpu.memory_space<hbm>>, %arg5: memref<32x80x128xi32, #tpu.memory_space<hbm>>, %arg6: memref<2x10000x128xf32, #tpu.memory_space<hbm>>, %arg7: memref<10240xi32, #tpu.memory_space<vmem>>, %arg8: memref<40x128xi32, #tpu.memory_space<vmem>>, %arg9: memref<2x128x128xf32, #tpu.memory_space<vmem>>, %arg10: memref<10000x128xf32, #tpu.memory_space<vmem_shared>>, %arg11: memref<!tpu.dma_semaphore, #tpu.memory_space<semaphore_mem>>, %arg12: memref<!tpu.dma_semaphore, #tpu.memory_space<semaphore_mem>>, %arg13: memref<!tpu.dma_semaphore, #tpu.memory_space<semaphore_mem>>, %arg14: memref<!tpu.dma_semaphore, #tpu.memory_space<semaphore_mem>>) attributes {dimension_semantics = [#tpu.dimension_semantics<core_parallel>, #tpu.dimension_semantics<subcore_parallel>], iteration_bounds = array<i64: 2, 16>, scalar_prefetch = 0 : i64, scratch_operands = 8 : i64, tpu.core_type = #tpu.core_type<sc_vector_subcore>, window_params = [{transform_indices = #map}, {transform_indices = #map}, {transform_indices = #map1}, {transform_indices = #map2}, {transform_indices = #map2}]} {
    %mul3A = arith.constant 2 : i32
    %mul3A_0 = arith.muli %arg1, %mul3A : i32
    %add3A = arith.addi %mul3A_0, %arg0 : i32
    %mul3A_1 = arith.constant 624 : i32
    %mul3A_2 = arith.muli %arg1, %mul3A_1 : i32
    "tpu.region"() ({
      %run_scoped3A = tpu.sem_alloc : memref<!tpu.dma_semaphore, #tpu.memory_space<semaphore_mem>>
      %dma_start3A_52 = arith.constant 0 : i32
      %dma_start3A_53 = tpu.memref_slice %arg10[%mul3A_2, %dma_start3A_52] : memref<10000x128xf32, #tpu.memory_space<vmem_shared>> -> memref<624x128xf32, #tpu.memory_space<vmem_shared>>
      %dma_start3A_54 = arith.constant 0 : i32
      %dma_start3A_55 = tpu.memref_slice %arg3[%mul3A_2, %dma_start3A_54] : memref<10000x128xf32, #tpu.memory_space<hbm>> -> memref<624x128xf32, #tpu.memory_space<hbm>>
      tpu.enqueue_dma source(%dma_start3A_55 : memref<624x128xf32, #tpu.memory_space<hbm>>) target(%dma_start3A_53 : memref<624x128xf32, #tpu.memory_space<vmem_shared>>) target_semaphore(%run_scoped3A : memref<!tpu.dma_semaphore, #tpu.memory_space<semaphore_mem>>)
      %dma_wait3A_56 = arith.constant 0 : i32
      %dma_wait3A_57 = tpu.memref_slice %arg10[%mul3A_2, %dma_wait3A_56] : memref<10000x128xf32, #tpu.memory_space<vmem_shared>> -> memref<624x128xf32, #tpu.memory_space<vmem_shared>>
      %dma_wait3A_58 = arith.constant 0 : i32
      %dma_wait3A_59 = tpu.memref_slice %arg3[%mul3A_2, %dma_wait3A_58] : memref<10000x128xf32, #tpu.memory_space<hbm>> -> memref<624x128xf32, #tpu.memory_space<hbm>>
      tpu.wait_dma2 semaphore(%run_scoped3A : memref<!tpu.dma_semaphore, #tpu.memory_space<semaphore_mem>>) src(%dma_wait3A_59 : memref<624x128xf32, #tpu.memory_space<hbm>>) dst(%dma_wait3A_57 : memref<624x128xf32, #tpu.memory_space<vmem_shared>>)
      tpu.yield
    }) : () -> ()
    %eq3A = arith.constant 15 : i32
    %eq3A_3 = arith.cmpi eq, %arg1, %eq3A : i32
    %convert_element_type3A = arith.extui %eq3A_3 : i1 to i32
    %cond3A = arith.constant 0 : i32
    %cond3A_4 = arith.cmpi ne, %convert_element_type3A, %cond3A : i32
    scf.if %cond3A_4 {
      "tpu.region"() ({
        %run_scoped3A = tpu.sem_alloc : memref<!tpu.dma_semaphore, #tpu.memory_space<semaphore_mem>>
        %dma_start3A_52 = arith.constant 9984 : i32
        %dma_start3A_53 = arith.constant 0 : i32
        %dma_start3A_54 = tpu.memref_slice %arg10[%dma_start3A_52, %dma_start3A_53] : memref<10000x128xf32, #tpu.memory_space<vmem_shared>> -> memref<16x128xf32, #tpu.memory_space<vmem_shared>>
        %dma_start3A_55 = arith.constant 9984 : i32
        %dma_start3A_56 = arith.constant 0 : i32
        %dma_start3A_57 = tpu.memref_slice %arg3[%dma_start3A_55, %dma_start3A_56] : memref<10000x128xf32, #tpu.memory_space<hbm>> -> memref<16x128xf32, #tpu.memory_space<hbm>>
        tpu.enqueue_dma source(%dma_start3A_57 : memref<16x128xf32, #tpu.memory_space<hbm>>) target(%dma_start3A_54 : memref<16x128xf32, #tpu.memory_space<vmem_shared>>) target_semaphore(%run_scoped3A : memref<!tpu.dma_semaphore, #tpu.memory_space<semaphore_mem>>)
        %dma_wait3A_58 = arith.constant 9984 : i32
        %dma_wait3A_59 = arith.constant 0 : i32
        %dma_wait3A_60 = tpu.memref_slice %arg10[%dma_wait3A_58, %dma_wait3A_59] : memref<10000x128xf32, #tpu.memory_space<vmem_shared>> -> memref<16x128xf32, #tpu.memory_space<vmem_shared>>
        %dma_wait3A_61 = arith.constant 9984 : i32
        %dma_wait3A_62 = arith.constant 0 : i32
        %dma_wait3A_63 = tpu.memref_slice %arg3[%dma_wait3A_61, %dma_wait3A_62] : memref<10000x128xf32, #tpu.memory_space<hbm>> -> memref<16x128xf32, #tpu.memory_space<hbm>>
        tpu.wait_dma2 semaphore(%run_scoped3A : memref<!tpu.dma_semaphore, #tpu.memory_space<semaphore_mem>>) src(%dma_wait3A_63 : memref<16x128xf32, #tpu.memory_space<hbm>>) dst(%dma_wait3A_60 : memref<16x128xf32, #tpu.memory_space<vmem_shared>>)
        tpu.yield
      }) : () -> ()
    } else {
    }
    %mul3A_5 = arith.constant 10240 : i32
    %mul3A_6 = arith.muli %add3A, %mul3A_5 : i32
    "tpu.region"() ({
      %run_scoped3A = tpu.sem_alloc : memref<!tpu.dma_semaphore, #tpu.memory_space<semaphore_mem>>
      %dma_start3A_52 = tpu.memref_slice %arg4[%mul3A_6] : memref<327680xi32, #tpu.memory_space<hbm>> -> memref<10240xi32, #tpu.memory_space<hbm>>
      %dma_start3A_53 = tpu.memref_slice %arg4[%mul3A_6] : memref<327680xi32, #tpu.memory_space<hbm>> -> memref<10240xi32, #tpu.memory_space<hbm>>
      tpu.enqueue_dma source(%dma_start3A_53 : memref<10240xi32, #tpu.memory_space<hbm>>) target(%arg7 : memref<10240xi32, #tpu.memory_space<vmem>>) target_semaphore(%run_scoped3A : memref<!tpu.dma_semaphore, #tpu.memory_space<semaphore_mem>>)
      %dma_wait3A_54 = tpu.memref_slice %arg4[%mul3A_6] : memref<327680xi32, #tpu.memory_space<hbm>> -> memref<10240xi32, #tpu.memory_space<hbm>>
      %dma_wait3A_55 = tpu.memref_slice %arg4[%mul3A_6] : memref<327680xi32, #tpu.memory_space<hbm>> -> memref<10240xi32, #tpu.memory_space<hbm>>
      tpu.wait_dma2 semaphore(%run_scoped3A : memref<!tpu.dma_semaphore, #tpu.memory_space<semaphore_mem>>) src(%dma_wait3A_55 : memref<10240xi32, #tpu.memory_space<hbm>>) dst(%arg7 : memref<10240xi32, #tpu.memory_space<vmem>>)
      tpu.yield
    }) : () -> ()
    "tpu.region"() ({
      %run_scoped3A = tpu.sem_alloc : memref<!tpu.dma_semaphore, #tpu.memory_space<semaphore_mem>>
      %dma_start3A_52 = arith.constant 0 : i32
      %dma_start3A_53 = arith.constant 0 : i32
      %dma_start3A_54 = tpu.memref_slice %arg5[%add3A, %dma_start3A_52, %dma_start3A_53] : memref<32x80x128xi32, #tpu.memory_space<hbm>> -> memref<1x40x128xi32, #tpu.memory_space<hbm>>
      %dma_start3A_55 = tpu.memref_squeeze %dma_start3A_54 : memref<1x40x128xi32, #tpu.memory_space<hbm>> -> memref<40x128xi32, #tpu.memory_space<hbm>>
      %dma_start3A_56 = arith.constant 0 : i32
      %dma_start3A_57 = arith.constant 0 : i32
      %dma_start3A_58 = tpu.memref_slice %arg5[%add3A, %dma_start3A_56, %dma_start3A_57] : memref<32x80x128xi32, #tpu.memory_space<hbm>> -> memref<1x40x128xi32, #tpu.memory_space<hbm>>
      %dma_start3A_59 = tpu.memref_squeeze %dma_start3A_58 : memref<1x40x128xi32, #tpu.memory_space<hbm>> -> memref<40x128xi32, #tpu.memory_space<hbm>>
      tpu.enqueue_dma source(%dma_start3A_59 : memref<40x128xi32, #tpu.memory_space<hbm>>) target(%arg8 : memref<40x128xi32, #tpu.memory_space<vmem>>) target_semaphore(%run_scoped3A : memref<!tpu.dma_semaphore, #tpu.memory_space<semaphore_mem>>)
      %dma_wait3A_60 = arith.constant 0 : i32
      %dma_wait3A_61 = arith.constant 0 : i32
      %dma_wait3A_62 = tpu.memref_slice %arg5[%add3A, %dma_wait3A_60, %dma_wait3A_61] : memref<32x80x128xi32, #tpu.memory_space<hbm>> -> memref<1x40x128xi32, #tpu.memory_space<hbm>>
      %dma_wait3A_63 = tpu.memref_squeeze %dma_wait3A_62 : memref<1x40x128xi32, #tpu.memory_space<hbm>> -> memref<40x128xi32, #tpu.memory_space<hbm>>
      %dma_wait3A_64 = arith.constant 0 : i32
      %dma_wait3A_65 = arith.constant 0 : i32
      %dma_wait3A_66 = tpu.memref_slice %arg5[%add3A, %dma_wait3A_64, %dma_wait3A_65] : memref<32x80x128xi32, #tpu.memory_space<hbm>> -> memref<1x40x128xi32, #tpu.memory_space<hbm>>
      %dma_wait3A_67 = tpu.memref_squeeze %dma_wait3A_66 : memref<1x40x128xi32, #tpu.memory_space<hbm>> -> memref<40x128xi32, #tpu.memory_space<hbm>>
      tpu.wait_dma2 semaphore(%run_scoped3A : memref<!tpu.dma_semaphore, #tpu.memory_space<semaphore_mem>>) src(%dma_wait3A_67 : memref<40x128xi32, #tpu.memory_space<hbm>>) dst(%arg8 : memref<40x128xi32, #tpu.memory_space<vmem>>)
      tpu.yield
    }) : () -> ()
    %barrier3A = arith.constant 0 : index
    tpu.barrier barrier_id(%barrier3A)
    %multiple_of3A = arith.constant 0 : i32
    %multiple_of3A_7 = tpu.assume_multiple %multiple_of3A, 8 : i32
    %dma_start3A = arith.constant 0 : i32
    %dma_start3A_8 = arith.constant 0 : i32
    %dma_start3A_9 = arith.constant 0 : i32
    %dma_start3A_10 = tpu.memref_slice %arg9[%dma_start3A, %dma_start3A_8, %dma_start3A_9] : memref<2x128x128xf32, #tpu.memory_space<vmem>> -> memref<1x128x128xf32, #tpu.memory_space<vmem>>
    %dma_start3A_11 = tpu.memref_squeeze %dma_start3A_10 : memref<1x128x128xf32, #tpu.memory_space<vmem>> -> memref<128x128xf32, #tpu.memory_space<vmem>>
    %dma_start3A_12 = tpu.memref_slice %arg7[%multiple_of3A_7] : memref<10240xi32, #tpu.memory_space<vmem>> -> memref<128xi32, #tpu.memory_space<vmem>>
    %dma_start3A_13 = arith.constant 0 : i32
    %dma_start3A_14 = arith.constant 0 : i32
    %dma_start3A_15 = tpu.memref_slice %arg2[%dma_start3A_13, %dma_start3A_14] : memref<10000x128xf32, #tpu.memory_space<hbm>> -> memref<10000x128xf32, #tpu.memory_space<hbm>>
    tpu.enqueue_indirect_dma source(%dma_start3A_15 : memref<10000x128xf32, #tpu.memory_space<hbm>>) target(%dma_start3A_11 : memref<128x128xf32, #tpu.memory_space<vmem>>) offsets(%dma_start3A_12 : memref<128xi32, #tpu.memory_space<vmem>>) semaphore(%arg11 : memref<!tpu.dma_semaphore, #tpu.memory_space<semaphore_mem>>)
    %scan3A = arith.constant 0 : i32
    %scan3A_16 = arith.constant 1 : i32
    %scan3A_17 = arith.constant 0 : i32
    %scan3A_18 = arith.constant 0 : i32
    %scan3A_19 = arith.constant 40 : i32
    %scan3A_20 = arith.addi %scan3A_18, %scan3A_19 : i32
    %scan3A_21 = arith.constant 1 : i32
    scf.for %scan3A_52 = %scan3A_18 to %scan3A_20 step %scan3A_21  : i32 {
      %mul3A_53 = arith.constant 2 : i32
      %mul3A_54 = arith.muli %scan3A_52, %mul3A_53 : i32
      %add3A_55 = arith.constant 0 : i32
      %add3A_56 = arith.addi %mul3A_54, %add3A_55 : i32
      %add3A_57 = arith.constant 2 : i32
      %add3A_58 = arith.addi %add3A_56, %add3A_57 : i32
      %sub3A = arith.constant 1 : i32
      %sub3A_59 = arith.subi %add3A_58, %sub3A : i32
      %lt3A = arith.constant 80 : i32
      %lt3A_60 = arith.cmpi slt, %sub3A_59, %lt3A : i32
      %convert_element_type3A_61 = arith.extui %lt3A_60 : i1 to i32
      %cond3A_62 = arith.constant 0 : i32
      %cond3A_63 = arith.cmpi ne, %convert_element_type3A_61, %cond3A_62 : i32
      scf.if %cond3A_63 {
        %ge3A_135 = arith.constant 2 : i32
        %ge3A_136 = arith.cmpi sge, %sub3A_59, %ge3A_135 : i32
        %convert_element_type3A_137 = arith.extui %ge3A_136 : i1 to i32
        %cond3A_138 = arith.constant 0 : i32
        %cond3A_139 = arith.cmpi ne, %convert_element_type3A_137, %cond3A_138 : i32
        scf.if %cond3A_139 {
          %dma_wait3A_151 = arith.constant 0 : i32
          %dma_wait3A_152 = arith.constant 0 : i32
          %dma_wait3A_153 = arith.constant 0 : i32
          %dma_wait3A_154 = tpu.memref_slice %arg9[%scan3A_16, %dma_wait3A_152, %dma_wait3A_153] : memref<2x128x128xf32, #tpu.memory_space<vmem>> -> memref<1x128x128xf32, #tpu.memory_space<vmem>>
          %dma_wait3A_155 = tpu.memref_squeeze %dma_wait3A_154 : memref<1x128x128xf32, #tpu.memory_space<vmem>> -> memref<128x128xf32, #tpu.memory_space<vmem>>
          %dma_wait3A_156 = arith.constant 0 : i32
          %dma_wait3A_157 = tpu.memref_slice %arg8[%dma_wait3A_151, %dma_wait3A_156] : memref<40x128xi32, #tpu.memory_space<vmem>> -> memref<1x128xi32, #tpu.memory_space<vmem>>
          %dma_wait3A_158 = tpu.memref_squeeze %dma_wait3A_157 : memref<1x128xi32, #tpu.memory_space<vmem>> -> memref<128xi32, #tpu.memory_space<vmem>>
          %dma_wait3A_159 = arith.constant 0 : i32
          %dma_wait3A_160 = arith.constant 0 : i32
          %dma_wait3A_161 = tpu.memref_slice %arg10[%dma_wait3A_159, %dma_wait3A_160] : memref<10000x128xf32, #tpu.memory_space<vmem_shared>> -> memref<10000x128xf32, #tpu.memory_space<vmem_shared>>
          tpu.wait_indirect_dma semaphore(%arg14 : memref<!tpu.dma_semaphore, #tpu.memory_space<semaphore_mem>>) src(%dma_wait3A_155 : memref<128x128xf32, #tpu.memory_space<vmem>>) dst(%dma_wait3A_161 : memref<10000x128xf32, #tpu.memory_space<vmem_shared>>)
        } else {
        }
        %mul3A_140 = arith.constant 128 : i32
        %mul3A_141 = arith.muli %sub3A_59, %mul3A_140 : i32
        %multiple_of3A_142 = tpu.assume_multiple %mul3A_141, 8 : i32
        %dma_start3A_143 = arith.constant 0 : i32
        %dma_start3A_144 = arith.constant 0 : i32
        %dma_start3A_145 = tpu.memref_slice %arg9[%scan3A_16, %dma_start3A_143, %dma_start3A_144] : memref<2x128x128xf32, #tpu.memory_space<vmem>> -> memref<1x128x128xf32, #tpu.memory_space<vmem>>
        %dma_start3A_146 = tpu.memref_squeeze %dma_start3A_145 : memref<1x128x128xf32, #tpu.memory_space<vmem>> -> memref<128x128xf32, #tpu.memory_space<vmem>>
        %dma_start3A_147 = tpu.memref_slice %arg7[%multiple_of3A_142] : memref<10240xi32, #tpu.memory_space<vmem>> -> memref<128xi32, #tpu.memory_space<vmem>>
        %dma_start3A_148 = arith.constant 0 : i32
        %dma_start3A_149 = arith.constant 0 : i32
        %dma_start3A_150 = tpu.memref_slice %arg2[%dma_start3A_148, %dma_start3A_149] : memref<10000x128xf32, #tpu.memory_space<hbm>> -> memref<10000x128xf32, #tpu.memory_space<hbm>>
        tpu.enqueue_indirect_dma source(%dma_start3A_150 : memref<10000x128xf32, #tpu.memory_space<hbm>>) target(%dma_start3A_146 : memref<128x128xf32, #tpu.memory_space<vmem>>) offsets(%dma_start3A_147 : memref<128xi32, #tpu.memory_space<vmem>>) semaphore(%arg12 : memref<!tpu.dma_semaphore, #tpu.memory_space<semaphore_mem>>)
      } else {
      }
      %mul3A_64 = arith.constant 128 : i32
      %mul3A_65 = arith.muli %add3A_56, %mul3A_64 : i32
      %multiple_of3A_66 = tpu.assume_multiple %mul3A_65, 8 : i32
      %dma_wait3A_67 = arith.constant 0 : i32
      %dma_wait3A_68 = arith.constant 0 : i32
      %dma_wait3A_69 = tpu.memref_slice %arg9[%scan3A_17, %dma_wait3A_67, %dma_wait3A_68] : memref<2x128x128xf32, #tpu.memory_space<vmem>> -> memref<1x128x128xf32, #tpu.memory_space<vmem>>
      %dma_wait3A_70 = tpu.memref_squeeze %dma_wait3A_69 : memref<1x128x128xf32, #tpu.memory_space<vmem>> -> memref<128x128xf32, #tpu.memory_space<vmem>>
      %dma_wait3A_71 = tpu.memref_slice %arg7[%multiple_of3A_66] : memref<10240xi32, #tpu.memory_space<vmem>> -> memref<128xi32, #tpu.memory_space<vmem>>
      %dma_wait3A_72 = arith.constant 0 : i32
      %dma_wait3A_73 = arith.constant 0 : i32
      %dma_wait3A_74 = tpu.memref_slice %arg2[%dma_wait3A_72, %dma_wait3A_73] : memref<10000x128xf32, #tpu.memory_space<hbm>> -> memref<10000x128xf32, #tpu.memory_space<hbm>>
      tpu.wait_indirect_dma semaphore(%arg11 : memref<!tpu.dma_semaphore, #tpu.memory_space<semaphore_mem>>) src(%dma_wait3A_74 : memref<10000x128xf32, #tpu.memory_space<hbm>>) dst(%dma_wait3A_70 : memref<128x128xf32, #tpu.memory_space<vmem>>)
      %eq3A_75 = arith.constant 40 : i32
      %eq3A_76 = arith.cmpi eq, %add3A_56, %eq3A_75 : i32
      %convert_element_type3A_77 = arith.extui %eq3A_76 : i1 to i32
      %cond3A_78 = arith.constant 0 : i32
      %cond3A_79 = arith.cmpi ne, %convert_element_type3A_77, %cond3A_78 : i32
      scf.if %cond3A_79 {
        "tpu.region"() ({
          %run_scoped3A = tpu.sem_alloc : memref<!tpu.dma_semaphore, #tpu.memory_space<semaphore_mem>>
          %dma_start3A_135 = arith.constant 40 : i32
          %dma_start3A_136 = arith.constant 0 : i32
          %dma_start3A_137 = tpu.memref_slice %arg5[%add3A, %dma_start3A_135, %dma_start3A_136] : memref<32x80x128xi32, #tpu.memory_space<hbm>> -> memref<1x40x128xi32, #tpu.memory_space<hbm>>
          %dma_start3A_138 = tpu.memref_squeeze %dma_start3A_137 : memref<1x40x128xi32, #tpu.memory_space<hbm>> -> memref<40x128xi32, #tpu.memory_space<hbm>>
          %dma_start3A_139 = arith.constant 40 : i32
          %dma_start3A_140 = arith.constant 0 : i32
          %dma_start3A_141 = tpu.memref_slice %arg5[%add3A, %dma_start3A_139, %dma_start3A_140] : memref<32x80x128xi32, #tpu.memory_space<hbm>> -> memref<1x40x128xi32, #tpu.memory_space<hbm>>
          %dma_start3A_142 = tpu.memref_squeeze %dma_start3A_141 : memref<1x40x128xi32, #tpu.memory_space<hbm>> -> memref<40x128xi32, #tpu.memory_space<hbm>>
          tpu.enqueue_dma source(%dma_start3A_142 : memref<40x128xi32, #tpu.memory_space<hbm>>) target(%arg8 : memref<40x128xi32, #tpu.memory_space<vmem>>) target_semaphore(%run_scoped3A : memref<!tpu.dma_semaphore, #tpu.memory_space<semaphore_mem>>)
          %dma_wait3A_143 = arith.constant 40 : i32
          %dma_wait3A_144 = arith.constant 0 : i32
          %dma_wait3A_145 = tpu.memref_slice %arg5[%add3A, %dma_wait3A_143, %dma_wait3A_144] : memref<32x80x128xi32, #tpu.memory_space<hbm>> -> memref<1x40x128xi32, #tpu.memory_space<hbm>>
          %dma_wait3A_146 = tpu.memref_squeeze %dma_wait3A_145 : memref<1x40x128xi32, #tpu.memory_space<hbm>> -> memref<40x128xi32, #tpu.memory_space<hbm>>
          %dma_wait3A_147 = arith.constant 40 : i32
          %dma_wait3A_148 = arith.constant 0 : i32
          %dma_wait3A_149 = tpu.memref_slice %arg5[%add3A, %dma_wait3A_147, %dma_wait3A_148] : memref<32x80x128xi32, #tpu.memory_space<hbm>> -> memref<1x40x128xi32, #tpu.memory_space<hbm>>
          %dma_wait3A_150 = tpu.memref_squeeze %dma_wait3A_149 : memref<1x40x128xi32, #tpu.memory_space<hbm>> -> memref<40x128xi32, #tpu.memory_space<hbm>>
          tpu.wait_dma2 semaphore(%run_scoped3A : memref<!tpu.dma_semaphore, #tpu.memory_space<semaphore_mem>>) src(%dma_wait3A_150 : memref<40x128xi32, #tpu.memory_space<hbm>>) dst(%arg8 : memref<40x128xi32, #tpu.memory_space<vmem>>)
          tpu.yield
        }) : () -> ()
      } else {
      }
      %ge3A = arith.constant 40 : i32
      %ge3A_80 = arith.cmpi sge, %add3A_56, %ge3A : i32
      %sub3A_81 = arith.constant 40 : i32
      %sub3A_82 = arith.subi %add3A_56, %sub3A_81 : i32
      %select_n3A = arith.select %ge3A_80, %sub3A_82, %add3A_56 : i32
      %dma_start3A_83 = arith.constant 0 : i32
      %dma_start3A_84 = arith.constant 0 : i32
      %dma_start3A_85 = tpu.memref_slice %arg9[%scan3A_17, %dma_start3A_83, %dma_start3A_84] : memref<2x128x128xf32, #tpu.memory_space<vmem>> -> memref<1x128x128xf32, #tpu.memory_space<vmem>>
      %dma_start3A_86 = tpu.memref_squeeze %dma_start3A_85 : memref<1x128x128xf32, #tpu.memory_space<vmem>> -> memref<128x128xf32, #tpu.memory_space<vmem>>
      %dma_start3A_87 = arith.constant 0 : i32
      %dma_start3A_88 = tpu.memref_slice %arg8[%select_n3A, %dma_start3A_87] : memref<40x128xi32, #tpu.memory_space<vmem>> -> memref<1x128xi32, #tpu.memory_space<vmem>>
      %dma_start3A_89 = tpu.memref_squeeze %dma_start3A_88 : memref<1x128xi32, #tpu.memory_space<vmem>> -> memref<128xi32, #tpu.memory_space<vmem>>
      %dma_start3A_90 = arith.constant 0 : i32
      %dma_start3A_91 = arith.constant 0 : i32
      %dma_start3A_92 = tpu.memref_slice %arg10[%dma_start3A_90, %dma_start3A_91] : memref<10000x128xf32, #tpu.memory_space<vmem_shared>> -> memref<10000x128xf32, #tpu.memory_space<vmem_shared>>
      tpu.enqueue_indirect_dma source(%dma_start3A_86 : memref<128x128xf32, #tpu.memory_space<vmem>>) target(%dma_start3A_92 : memref<10000x128xf32, #tpu.memory_space<vmem_shared>>) offsets(%dma_start3A_89 : memref<128xi32, #tpu.memory_space<vmem>>) semaphore(%arg13 : memref<!tpu.dma_semaphore, #tpu.memory_space<semaphore_mem>>) {add = true}
      %add3A_93 = arith.constant 1 : i32
      %add3A_94 = arith.addi %mul3A_54, %add3A_93 : i32
      %add3A_95 = arith.constant 2 : i32
      %add3A_96 = arith.addi %add3A_94, %add3A_95 : i32
      %sub3A_97 = arith.constant 1 : i32
      %sub3A_98 = arith.subi %add3A_96, %sub3A_97 : i32
      %lt3A_99 = arith.constant 80 : i32
      %lt3A_100 = arith.cmpi slt, %sub3A_98, %lt3A_99 : i32
      %convert_element_type3A_101 = arith.extui %lt3A_100 : i1 to i32
      %cond3A_102 = arith.constant 0 : i32
      %cond3A_103 = arith.cmpi ne, %convert_element_type3A_101, %cond3A_102 : i32
      scf.if %cond3A_103 {
        %ge3A_135 = arith.constant 2 : i32
        %ge3A_136 = arith.cmpi sge, %sub3A_98, %ge3A_135 : i32
        %convert_element_type3A_137 = arith.extui %ge3A_136 : i1 to i32
        %cond3A_138 = arith.constant 0 : i32
        %cond3A_139 = arith.cmpi ne, %convert_element_type3A_137, %cond3A_138 : i32
        scf.if %cond3A_139 {
          %dma_wait3A_151 = arith.constant 0 : i32
          %dma_wait3A_152 = arith.constant 0 : i32
          %dma_wait3A_153 = arith.constant 0 : i32
          %dma_wait3A_154 = tpu.memref_slice %arg9[%scan3A_17, %dma_wait3A_152, %dma_wait3A_153] : memref<2x128x128xf32, #tpu.memory_space<vmem>> -> memref<1x128x128xf32, #tpu.memory_space<vmem>>
          %dma_wait3A_155 = tpu.memref_squeeze %dma_wait3A_154 : memref<1x128x128xf32, #tpu.memory_space<vmem>> -> memref<128x128xf32, #tpu.memory_space<vmem>>
          %dma_wait3A_156 = arith.constant 0 : i32
          %dma_wait3A_157 = tpu.memref_slice %arg8[%dma_wait3A_151, %dma_wait3A_156] : memref<40x128xi32, #tpu.memory_space<vmem>> -> memref<1x128xi32, #tpu.memory_space<vmem>>
          %dma_wait3A_158 = tpu.memref_squeeze %dma_wait3A_157 : memref<1x128xi32, #tpu.memory_space<vmem>> -> memref<128xi32, #tpu.memory_space<vmem>>
          %dma_wait3A_159 = arith.constant 0 : i32
          %dma_wait3A_160 = arith.constant 0 : i32
          %dma_wait3A_161 = tpu.memref_slice %arg10[%dma_wait3A_159, %dma_wait3A_160] : memref<10000x128xf32, #tpu.memory_space<vmem_shared>> -> memref<10000x128xf32, #tpu.memory_space<vmem_shared>>
          tpu.wait_indirect_dma semaphore(%arg13 : memref<!tpu.dma_semaphore, #tpu.memory_space<semaphore_mem>>) src(%dma_wait3A_155 : memref<128x128xf32, #tpu.memory_space<vmem>>) dst(%dma_wait3A_161 : memref<10000x128xf32, #tpu.memory_space<vmem_shared>>)
        } else {
        }
        %mul3A_140 = arith.constant 128 : i32
        %mul3A_141 = arith.muli %sub3A_98, %mul3A_140 : i32
        %multiple_of3A_142 = tpu.assume_multiple %mul3A_141, 8 : i32
        %dma_start3A_143 = arith.constant 0 : i32
        %dma_start3A_144 = arith.constant 0 : i32
        %dma_start3A_145 = tpu.memref_slice %arg9[%scan3A_17, %dma_start3A_143, %dma_start3A_144] : memref<2x128x128xf32, #tpu.memory_space<vmem>> -> memref<1x128x128xf32, #tpu.memory_space<vmem>>
        %dma_start3A_146 = tpu.memref_squeeze %dma_start3A_145 : memref<1x128x128xf32, #tpu.memory_space<vmem>> -> memref<128x128xf32, #tpu.memory_space<vmem>>
        %dma_start3A_147 = tpu.memref_slice %arg7[%multiple_of3A_142] : memref<10240xi32, #tpu.memory_space<vmem>> -> memref<128xi32, #tpu.memory_space<vmem>>
        %dma_start3A_148 = arith.constant 0 : i32
        %dma_start3A_149 = arith.constant 0 : i32
        %dma_start3A_150 = tpu.memref_slice %arg2[%dma_start3A_148, %dma_start3A_149] : memref<10000x128xf32, #tpu.memory_space<hbm>> -> memref<10000x128xf32, #tpu.memory_space<hbm>>
        tpu.enqueue_indirect_dma source(%dma_start3A_150 : memref<10000x128xf32, #tpu.memory_space<hbm>>) target(%dma_start3A_146 : memref<128x128xf32, #tpu.memory_space<vmem>>) offsets(%dma_start3A_147 : memref<128xi32, #tpu.memory_space<vmem>>) semaphore(%arg11 : memref<!tpu.dma_semaphore, #tpu.memory_space<semaphore_mem>>)
      } else {
      }
      %mul3A_104 = arith.constant 128 : i32
      %mul3A_105 = arith.muli %add3A_94, %mul3A_104 : i32
      %multiple_of3A_106 = tpu.assume_multiple %mul3A_105, 8 : i32
      %dma_wait3A_107 = arith.constant 0 : i32
      %dma_wait3A_108 = arith.constant 0 : i32
      %dma_wait3A_109 = tpu.memref_slice %arg9[%scan3A_16, %dma_wait3A_107, %dma_wait3A_108] : memref<2x128x128xf32, #tpu.memory_space<vmem>> -> memref<1x128x128xf32, #tpu.memory_space<vmem>>
      %dma_wait3A_110 = tpu.memref_squeeze %dma_wait3A_109 : memref<1x128x128xf32, #tpu.memory_space<vmem>> -> memref<128x128xf32, #tpu.memory_space<vmem>>
      %dma_wait3A_111 = tpu.memref_slice %arg7[%multiple_of3A_106] : memref<10240xi32, #tpu.memory_space<vmem>> -> memref<128xi32, #tpu.memory_space<vmem>>
      %dma_wait3A_112 = arith.constant 0 : i32
      %dma_wait3A_113 = arith.constant 0 : i32
      %dma_wait3A_114 = tpu.memref_slice %arg2[%dma_wait3A_112, %dma_wait3A_113] : memref<10000x128xf32, #tpu.memory_space<hbm>> -> memref<10000x128xf32, #tpu.memory_space<hbm>>
      tpu.wait_indirect_dma semaphore(%arg12 : memref<!tpu.dma_semaphore, #tpu.memory_space<semaphore_mem>>) src(%dma_wait3A_114 : memref<10000x128xf32, #tpu.memory_space<hbm>>) dst(%dma_wait3A_110 : memref<128x128xf32, #tpu.memory_space<vmem>>)
      %eq3A_115 = arith.constant 40 : i32
      %eq3A_116 = arith.cmpi eq, %add3A_94, %eq3A_115 : i32
      %convert_element_type3A_117 = arith.extui %eq3A_116 : i1 to i32
      %cond3A_118 = arith.constant 0 : i32
      %cond3A_119 = arith.cmpi ne, %convert_element_type3A_117, %cond3A_118 : i32
      scf.if %cond3A_119 {
        "tpu.region"() ({
          %run_scoped3A = tpu.sem_alloc : memref<!tpu.dma_semaphore, #tpu.memory_space<semaphore_mem>>
          %dma_start3A_135 = arith.constant 40 : i32
          %dma_start3A_136 = arith.constant 0 : i32
          %dma_start3A_137 = tpu.memref_slice %arg5[%add3A, %dma_start3A_135, %dma_start3A_136] : memref<32x80x128xi32, #tpu.memory_space<hbm>> -> memref<1x40x128xi32, #tpu.memory_space<hbm>>
          %dma_start3A_138 = tpu.memref_squeeze %dma_start3A_137 : memref<1x40x128xi32, #tpu.memory_space<hbm>> -> memref<40x128xi32, #tpu.memory_space<hbm>>
          %dma_start3A_139 = arith.constant 40 : i32
          %dma_start3A_140 = arith.constant 0 : i32
          %dma_start3A_141 = tpu.memref_slice %arg5[%add3A, %dma_start3A_139, %dma_start3A_140] : memref<32x80x128xi32, #tpu.memory_space<hbm>> -> memref<1x40x128xi32, #tpu.memory_space<hbm>>
          %dma_start3A_142 = tpu.memref_squeeze %dma_start3A_141 : memref<1x40x128xi32, #tpu.memory_space<hbm>> -> memref<40x128xi32, #tpu.memory_space<hbm>>
          tpu.enqueue_dma source(%dma_start3A_142 : memref<40x128xi32, #tpu.memory_space<hbm>>) target(%arg8 : memref<40x128xi32, #tpu.memory_space<vmem>>) target_semaphore(%run_scoped3A : memref<!tpu.dma_semaphore, #tpu.memory_space<semaphore_mem>>)
          %dma_wait3A_143 = arith.constant 40 : i32
          %dma_wait3A_144 = arith.constant 0 : i32
          %dma_wait3A_145 = tpu.memref_slice %arg5[%add3A, %dma_wait3A_143, %dma_wait3A_144] : memref<32x80x128xi32, #tpu.memory_space<hbm>> -> memref<1x40x128xi32, #tpu.memory_space<hbm>>
          %dma_wait3A_146 = tpu.memref_squeeze %dma_wait3A_145 : memref<1x40x128xi32, #tpu.memory_space<hbm>> -> memref<40x128xi32, #tpu.memory_space<hbm>>
          %dma_wait3A_147 = arith.constant 40 : i32
          %dma_wait3A_148 = arith.constant 0 : i32
          %dma_wait3A_149 = tpu.memref_slice %arg5[%add3A, %dma_wait3A_147, %dma_wait3A_148] : memref<32x80x128xi32, #tpu.memory_space<hbm>> -> memref<1x40x128xi32, #tpu.memory_space<hbm>>
          %dma_wait3A_150 = tpu.memref_squeeze %dma_wait3A_149 : memref<1x40x128xi32, #tpu.memory_space<hbm>> -> memref<40x128xi32, #tpu.memory_space<hbm>>
          tpu.wait_dma2 semaphore(%run_scoped3A : memref<!tpu.dma_semaphore, #tpu.memory_space<semaphore_mem>>) src(%dma_wait3A_150 : memref<40x128xi32, #tpu.memory_space<hbm>>) dst(%arg8 : memref<40x128xi32, #tpu.memory_space<vmem>>)
          tpu.yield
        }) : () -> ()
      } else {
      }
      %ge3A_120 = arith.constant 40 : i32
      %ge3A_121 = arith.cmpi sge, %add3A_94, %ge3A_120 : i32
      %sub3A_122 = arith.constant 40 : i32
      %sub3A_123 = arith.subi %add3A_94, %sub3A_122 : i32
      %select_n3A_124 = arith.select %ge3A_121, %sub3A_123, %add3A_94 : i32
      %dma_start3A_125 = arith.constant 0 : i32
      %dma_start3A_126 = arith.constant 0 : i32
      %dma_start3A_127 = tpu.memref_slice %arg9[%scan3A_16, %dma_start3A_125, %dma_start3A_126] : memref<2x128x128xf32, #tpu.memory_space<vmem>> -> memref<1x128x128xf32, #tpu.memory_space<vmem>>
      %dma_start3A_128 = tpu.memref_squeeze %dma_start3A_127 : memref<1x128x128xf32, #tpu.memory_space<vmem>> -> memref<128x128xf32, #tpu.memory_space<vmem>>
      %dma_start3A_129 = arith.constant 0 : i32
      %dma_start3A_130 = tpu.memref_slice %arg8[%select_n3A_124, %dma_start3A_129] : memref<40x128xi32, #tpu.memory_space<vmem>> -> memref<1x128xi32, #tpu.memory_space<vmem>>
      %dma_start3A_131 = tpu.memref_squeeze %dma_start3A_130 : memref<1x128xi32, #tpu.memory_space<vmem>> -> memref<128xi32, #tpu.memory_space<vmem>>
      %dma_start3A_132 = arith.constant 0 : i32
      %dma_start3A_133 = arith.constant 0 : i32
      %dma_start3A_134 = tpu.memref_slice %arg10[%dma_start3A_132, %dma_start3A_133] : memref<10000x128xf32, #tpu.memory_space<vmem_shared>> -> memref<10000x128xf32, #tpu.memory_space<vmem_shared>>
      tpu.enqueue_indirect_dma source(%dma_start3A_128 : memref<128x128xf32, #tpu.memory_space<vmem>>) target(%dma_start3A_134 : memref<10000x128xf32, #tpu.memory_space<vmem_shared>>) offsets(%dma_start3A_131 : memref<128xi32, #tpu.memory_space<vmem>>) semaphore(%arg14 : memref<!tpu.dma_semaphore, #tpu.memory_space<semaphore_mem>>) {add = true}
    }
    %scan3A_22 = arith.constant 40 : i32
    %dma_wait3A = arith.constant 0 : i32
    %dma_wait3A_23 = arith.constant 0 : i32
    %dma_wait3A_24 = arith.constant 0 : i32
    %dma_wait3A_25 = arith.constant 0 : i32
    %dma_wait3A_26 = tpu.memref_slice %arg9[%dma_wait3A, %dma_wait3A_24, %dma_wait3A_25] : memref<2x128x128xf32, #tpu.memory_space<vmem>> -> memref<1x128x128xf32, #tpu.memory_space<vmem>>
    %dma_wait3A_27 = tpu.memref_squeeze %dma_wait3A_26 : memref<1x128x128xf32, #tpu.memory_space<vmem>> -> memref<128x128xf32, #tpu.memory_space<vmem>>
    %dma_wait3A_28 = arith.constant 0 : i32
    %dma_wait3A_29 = tpu.memref_slice %arg8[%dma_wait3A_23, %dma_wait3A_28] : memref<40x128xi32, #tpu.memory_space<vmem>> -> memref<1x128xi32, #tpu.memory_space<vmem>>
    %dma_wait3A_30 = tpu.memref_squeeze %dma_wait3A_29 : memref<1x128xi32, #tpu.memory_space<vmem>> -> memref<128xi32, #tpu.memory_space<vmem>>
    %dma_wait3A_31 = arith.constant 0 : i32
    %dma_wait3A_32 = arith.constant 0 : i32
    %dma_wait3A_33 = tpu.memref_slice %arg10[%dma_wait3A_31, %dma_wait3A_32] : memref<10000x128xf32, #tpu.memory_space<vmem_shared>> -> memref<10000x128xf32, #tpu.memory_space<vmem_shared>>
    tpu.wait_indirect_dma semaphore(%arg13 : memref<!tpu.dma_semaphore, #tpu.memory_space<semaphore_mem>>) src(%dma_wait3A_27 : memref<128x128xf32, #tpu.memory_space<vmem>>) dst(%dma_wait3A_33 : memref<10000x128xf32, #tpu.memory_space<vmem_shared>>)
    %dma_wait3A_34 = arith.constant 1 : i32
    %dma_wait3A_35 = arith.constant 0 : i32
    %dma_wait3A_36 = arith.constant 0 : i32
    %dma_wait3A_37 = arith.constant 0 : i32
    %dma_wait3A_38 = tpu.memref_slice %arg9[%dma_wait3A_34, %dma_wait3A_36, %dma_wait3A_37] : memref<2x128x128xf32, #tpu.memory_space<vmem>> -> memref<1x128x128xf32, #tpu.memory_space<vmem>>
    %dma_wait3A_39 = tpu.memref_squeeze %dma_wait3A_38 : memref<1x128x128xf32, #tpu.memory_space<vmem>> -> memref<128x128xf32, #tpu.memory_space<vmem>>
    %dma_wait3A_40 = arith.constant 0 : i32
    %dma_wait3A_41 = tpu.memref_slice %arg8[%dma_wait3A_35, %dma_wait3A_40] : memref<40x128xi32, #tpu.memory_space<vmem>> -> memref<1x128xi32, #tpu.memory_space<vmem>>
    %dma_wait3A_42 = tpu.memref_squeeze %dma_wait3A_41 : memref<1x128xi32, #tpu.memory_space<vmem>> -> memref<128xi32, #tpu.memory_space<vmem>>
    %dma_wait3A_43 = arith.constant 0 : i32
    %dma_wait3A_44 = arith.constant 0 : i32
    %dma_wait3A_45 = tpu.memref_slice %arg10[%dma_wait3A_43, %dma_wait3A_44] : memref<10000x128xf32, #tpu.memory_space<vmem_shared>> -> memref<10000x128xf32, #tpu.memory_space<vmem_shared>>
    tpu.wait_indirect_dma semaphore(%arg14 : memref<!tpu.dma_semaphore, #tpu.memory_space<semaphore_mem>>) src(%dma_wait3A_39 : memref<128x128xf32, #tpu.memory_space<vmem>>) dst(%dma_wait3A_45 : memref<10000x128xf32, #tpu.memory_space<vmem_shared>>)
    %barrier3A_46 = arith.constant 0 : index
    tpu.barrier barrier_id(%barrier3A_46)
    "tpu.region"() ({
      %run_scoped3A = tpu.sem_alloc : memref<!tpu.dma_semaphore, #tpu.memory_space<semaphore_mem>>
      %dma_start3A_52 = arith.constant 0 : i32
      %dma_start3A_53 = tpu.memref_slice %arg6[%arg0, %mul3A_2, %dma_start3A_52] : memref<2x10000x128xf32, #tpu.memory_space<hbm>> -> memref<1x624x128xf32, #tpu.memory_space<hbm>>
      %dma_start3A_54 = tpu.memref_squeeze %dma_start3A_53 : memref<1x624x128xf32, #tpu.memory_space<hbm>> -> memref<624x128xf32, #tpu.memory_space<hbm>>
      %dma_start3A_55 = arith.constant 0 : i32
      %dma_start3A_56 = tpu.memref_slice %arg10[%mul3A_2, %dma_start3A_55] : memref<10000x128xf32, #tpu.memory_space<vmem_shared>> -> memref<624x128xf32, #tpu.memory_space<vmem_shared>>
      tpu.enqueue_dma source(%dma_start3A_56 : memref<624x128xf32, #tpu.memory_space<vmem_shared>>) target(%dma_start3A_54 : memref<624x128xf32, #tpu.memory_space<hbm>>) target_semaphore(%run_scoped3A : memref<!tpu.dma_semaphore, #tpu.memory_space<semaphore_mem>>)
      %dma_wait3A_57 = arith.constant 0 : i32
      %dma_wait3A_58 = tpu.memref_slice %arg6[%arg0, %mul3A_2, %dma_wait3A_57] : memref<2x10000x128xf32, #tpu.memory_space<hbm>> -> memref<1x624x128xf32, #tpu.memory_space<hbm>>
      %dma_wait3A_59 = tpu.memref_squeeze %dma_wait3A_58 : memref<1x624x128xf32, #tpu.memory_space<hbm>> -> memref<624x128xf32, #tpu.memory_space<hbm>>
      %dma_wait3A_60 = arith.constant 0 : i32
      %dma_wait3A_61 = tpu.memref_slice %arg10[%mul3A_2, %dma_wait3A_60] : memref<10000x128xf32, #tpu.memory_space<vmem_shared>> -> memref<624x128xf32, #tpu.memory_space<vmem_shared>>
      tpu.wait_dma2 semaphore(%run_scoped3A : memref<!tpu.dma_semaphore, #tpu.memory_space<semaphore_mem>>) src(%dma_wait3A_61 : memref<624x128xf32, #tpu.memory_space<vmem_shared>>) dst(%dma_wait3A_59 : memref<624x128xf32, #tpu.memory_space<hbm>>)
      tpu.yield
    }) : () -> ()
    %eq3A_47 = arith.constant 15 : i32
    %eq3A_48 = arith.cmpi eq, %arg1, %eq3A_47 : i32
    %convert_element_type3A_49 = arith.extui %eq3A_48 : i1 to i32
    %cond3A_50 = arith.constant 0 : i32
    %cond3A_51 = arith.cmpi ne, %convert_element_type3A_49, %cond3A_50 : i32
    scf.if %cond3A_51 {
      "tpu.region"() ({
        %run_scoped3A = tpu.sem_alloc : memref<!tpu.dma_semaphore, #tpu.memory_space<semaphore_mem>>
        %dma_start3A_52 = arith.constant 9984 : i32
        %dma_start3A_53 = arith.constant 0 : i32
        %dma_start3A_54 = tpu.memref_slice %arg6[%arg0, %dma_start3A_52, %dma_start3A_53] : memref<2x10000x128xf32, #tpu.memory_space<hbm>> -> memref<1x16x128xf32, #tpu.memory_space<hbm>>
        %dma_start3A_55 = tpu.memref_squeeze %dma_start3A_54 : memref<1x16x128xf32, #tpu.memory_space<hbm>> -> memref<16x128xf32, #tpu.memory_space<hbm>>
        %dma_start3A_56 = arith.constant 9984 : i32
        %dma_start3A_57 = arith.constant 0 : i32
        %dma_start3A_58 = tpu.memref_slice %arg10[%dma_start3A_56, %dma_start3A_57] : memref<10000x128xf32, #tpu.memory_space<vmem_shared>> -> memref<16x128xf32, #tpu.memory_space<vmem_shared>>
        tpu.enqueue_dma source(%dma_start3A_58 : memref<16x128xf32, #tpu.memory_space<vmem_shared>>) target(%dma_start3A_55 : memref<16x128xf32, #tpu.memory_space<hbm>>) target_semaphore(%run_scoped3A : memref<!tpu.dma_semaphore, #tpu.memory_space<semaphore_mem>>)
        %dma_wait3A_59 = arith.constant 9984 : i32
        %dma_wait3A_60 = arith.constant 0 : i32
        %dma_wait3A_61 = tpu.memref_slice %arg6[%arg0, %dma_wait3A_59, %dma_wait3A_60] : memref<2x10000x128xf32, #tpu.memory_space<hbm>> -> memref<1x16x128xf32, #tpu.memory_space<hbm>>
        %dma_wait3A_62 = tpu.memref_squeeze %dma_wait3A_61 : memref<1x16x128xf32, #tpu.memory_space<hbm>> -> memref<16x128xf32, #tpu.memory_space<hbm>>
        %dma_wait3A_63 = arith.constant 9984 : i32
        %dma_wait3A_64 = arith.constant 0 : i32
        %dma_wait3A_65 = tpu.memref_slice %arg10[%dma_wait3A_63, %dma_wait3A_64] : memref<10000x128xf32, #tpu.memory_space<vmem_shared>> -> memref<16x128xf32, #tpu.memory_space<vmem_shared>>
        tpu.wait_dma2 semaphore(%run_scoped3A : memref<!tpu.dma_semaphore, #tpu.memory_space<semaphore_mem>>) src(%dma_wait3A_65 : memref<16x128xf32, #tpu.memory_space<vmem_shared>>) dst(%dma_wait3A_62 : memref<16x128xf32, #tpu.memory_space<hbm>>)
        tpu.yield
      }) : () -> ()
    } else {
    }
    return
  }
}

module attributes {stable_mosaic.version = 14 : i64} {
  func.func @body(%arg0: i32, %arg1: memref<1xf32, #tpu.memory_space<smem>>, %arg2: memref<2x5000x128xf32, #tpu.memory_space<vmem>>, %arg3: memref<5000x128xf32, #tpu.memory_space<vmem>>, %arg4: memref<128x128xf32, #tpu.memory_space<vmem>>, %arg5: memref<1x128xf32, #tpu.memory_space<vmem>>, %arg6: memref<128x128xf32, #tpu.memory_space<vmem>>, %arg7: memref<1x128xf32, #tpu.memory_space<vmem>>, %arg8: memref<5000x128xf32, #tpu.memory_space<vmem>>) attributes {dimension_semantics = [#tpu.dimension_semantics<arbitrary>], iteration_bounds = array<i64: 2>, scalar_prefetch = 0 : i64, scratch_operands = 0 : i64, tpu.core_type = #tpu.core_type<tc>, window_params = [{transform_indices = @transform_0, window_bounds = array<i64: 1>}, {transform_indices = @transform_1, window_bounds = array<i64: 2, 5000, 128>}, {transform_indices = @transform_2, window_bounds = array<i64: 5000, 128>}, {pipeline_mode = #tpu.pipeline_mode<synchronous>, transform_indices = @transform_3, window_bounds = array<i64: 128, 128>}, {pipeline_mode = #tpu.pipeline_mode<synchronous>, transform_indices = @transform_4, window_bounds = array<i64: 1, 128>}, {pipeline_mode = #tpu.pipeline_mode<synchronous>, transform_indices = @transform_5, window_bounds = array<i64: 128, 128>}, {pipeline_mode = #tpu.pipeline_mode<synchronous>, transform_indices = @transform_6, window_bounds = array<i64: 1, 128>}, {transform_indices = @transform_7, window_bounds = array<i64: 5000, 128>}]} {
    %get3A = arith.constant 0 : index
    %get3A_0 = memref.load %arg1[%get3A] : memref<1xf32, #tpu.memory_space<smem>>
    %add3A = arith.constant 1.000000e+00 : f32
    %add3A_1 = arith.addf %add3A, %get3A_0 : f32
    %iota3A = tpu.iota {dimensions = array<i32: 0>} : vector<5000x128xi32>
    %mul3A = arith.constant 5000 : i32
    %mul3A_2 = arith.muli %arg0, %mul3A : i32
    %add3A_3 = vector.broadcast %mul3A_2 : i32 to vector<5000x128xi32>
    %add3A_4 = arith.addi %iota3A, %add3A_3 : vector<5000x128xi32>
    %lt3A = arith.constant 7680 : i32
    %lt3A_5 = vector.broadcast %lt3A : i32 to vector<5000x128xi32>
    %lt3A_6 = arith.cmpi slt, %add3A_4, %lt3A_5 : vector<5000x128xi32>
    %jit3A = arith.constant 1.000000e+00 : f32
    %jit3A_7 = arith.constant 0.000000e+00 : f32
    %broadcast_in_dim3A = vector.broadcast %jit3A : f32 to vector<5000x128xf32>
    %broadcast_in_dim3A_8 = vector.broadcast %jit3A_7 : f32 to vector<5000x128xf32>
    %select_n3A = arith.select %lt3A_6, %broadcast_in_dim3A, %broadcast_in_dim3A_8 : vector<5000x128xi1>, vector<5000x128xf32>
    %sub3A = vector.broadcast %add3A_1 : f32 to vector<5000x128xf32>
    %sub3A_9 = arith.subf %sub3A, %select_n3A : vector<5000x128xf32>
    %get3A_10 = arith.constant 0 : index
    %get3A_11 = arith.constant 0 : index
    %get3A_12 = arith.constant 0 : index
    %get3A_13 = vector.load %arg2[%get3A_10, %get3A_11, %get3A_12] : memref<2x5000x128xf32, #tpu.memory_space<vmem>>, vector<1x5000x128xf32>
    %get3A_14 = vector.shape_cast %get3A_13 : vector<1x5000x128xf32> to vector<5000x128xf32>
    %get3A_15 = arith.constant 1 : index
    %get3A_16 = arith.constant 0 : index
    %get3A_17 = arith.constant 0 : index
    %get3A_18 = vector.load %arg2[%get3A_15, %get3A_16, %get3A_17] : memref<2x5000x128xf32, #tpu.memory_space<vmem>>, vector<1x5000x128xf32>
    %get3A_19 = vector.shape_cast %get3A_18 : vector<1x5000x128xf32> to vector<5000x128xf32>
    %add3A_20 = arith.addf %get3A_14, %get3A_19 : vector<5000x128xf32>
    %get3A_21 = arith.constant 0 : index
    %get3A_22 = arith.constant 0 : index
    %get3A_23 = vector.load %arg3[%get3A_21, %get3A_22] : memref<5000x128xf32, #tpu.memory_space<vmem>>, vector<5000x128xf32>
    %mul3A_24 = arith.mulf %sub3A_9, %get3A_23 : vector<5000x128xf32>
    %add3A_25 = arith.addf %add3A_20, %mul3A_24 : vector<5000x128xf32>
    %get3A_26 = arith.constant 0 : index
    %get3A_27 = arith.constant 0 : index
    %get3A_28 = vector.load %arg4[%get3A_26, %get3A_27] : memref<128x128xf32, #tpu.memory_space<vmem>>, vector<128x128xf32>
    %dot_general3A = arith.constant dense<0.000000e+00> : vector<5000x128xf32>
    %dot_general3A_29 = tpu.matmul %add3A_25, %get3A_28, %dot_general3A {dimension_numbers = #tpu.dot_dimension_numbers<[1], [0], [0], [1], [0, 0, 1, 1], [], []>, transpose_lhs_hint = false} : vector<5000x128xf32>, vector<128x128xf32>, vector<5000x128xf32> -> vector<5000x128xf32>
    %get3A_30 = arith.constant 0 : index
    %get3A_31 = arith.constant 0 : index
    %get3A_32 = vector.load %arg5[%get3A_30, %get3A_31] : memref<1x128xf32, #tpu.memory_space<vmem>>, vector<1x128xf32>
    %add3A_33 = vector.broadcast %get3A_32 : vector<1x128xf32> to vector<5000x128xf32>
    %add3A_34 = arith.addf %dot_general3A_29, %add3A_33 : vector<5000x128xf32>
    %max3A = arith.constant 0.000000e+00 : f32
    %max3A_35 = vector.broadcast %max3A : f32 to vector<5000x128xf32>
    %max3A_36 = arith.maximumf %add3A_34, %max3A_35 : vector<5000x128xf32>
    %get3A_37 = arith.constant 0 : index
    %get3A_38 = arith.constant 0 : index
    %get3A_39 = vector.load %arg6[%get3A_37, %get3A_38] : memref<128x128xf32, #tpu.memory_space<vmem>>, vector<128x128xf32>
    %dot_general3A_40 = arith.constant dense<0.000000e+00> : vector<5000x128xf32>
    %dot_general3A_41 = tpu.matmul %max3A_36, %get3A_39, %dot_general3A_40 {dimension_numbers = #tpu.dot_dimension_numbers<[1], [0], [0], [1], [0, 0, 1, 1], [], []>, transpose_lhs_hint = false} : vector<5000x128xf32>, vector<128x128xf32>, vector<5000x128xf32> -> vector<5000x128xf32>
    %get3A_42 = arith.constant 0 : index
    %get3A_43 = arith.constant 0 : index
    %get3A_44 = vector.load %arg7[%get3A_42, %get3A_43] : memref<1x128xf32, #tpu.memory_space<vmem>>, vector<1x128xf32>
    %add3A_45 = vector.broadcast %get3A_44 : vector<1x128xf32> to vector<5000x128xf32>
    %add3A_46 = arith.addf %dot_general3A_41, %add3A_45 : vector<5000x128xf32>
    %swap3A = arith.constant 0 : index
    %swap3A_47 = arith.constant 0 : index
    %swap3A_48 = vector.load %arg8[%swap3A, %swap3A_47] : memref<5000x128xf32, #tpu.memory_space<vmem>>, vector<5000x128xf32>
    tpu.vector_store %arg8[%swap3A, %swap3A_47], %add3A_46 {strides = array<i32>} : memref<5000x128xf32, #tpu.memory_space<vmem>>, vector<5000x128xf32>,
    return
  }
  func.func @transform_0(%arg0: i32) -> i32 {
    %c0_i32 = arith.constant 0 : i32
    %c0_i32_0 = arith.constant 0 : i32
    return %c0_i32 : i32
  }
  func.func @transform_1(%arg0: i32) -> (i32, i32, i32) {
    %c0_i32 = arith.constant 0 : i32
    %c0_i32_0 = arith.constant 0 : i32
    %c0_i32_1 = arith.constant 0 : i32
    return %c0_i32, %arg0, %c0_i32_0 : i32, i32, i32
  }
  func.func @transform_2(%arg0: i32) -> (i32, i32) {
    %c0_i32 = arith.constant 0 : i32
    %c0_i32_0 = arith.constant 0 : i32
    return %arg0, %c0_i32 : i32, i32
  }
  func.func @transform_3(%arg0: i32) -> (i32, i32) {
    %c0_i32 = arith.constant 0 : i32
    %c0_i32_0 = arith.constant 0 : i32
    %c0_i32_1 = arith.constant 0 : i32
    return %c0_i32, %c0_i32_0 : i32, i32
  }
  func.func @transform_4(%arg0: i32) -> (i32, i32) {
    %c0_i32 = arith.constant 0 : i32
    %c0_i32_0 = arith.constant 0 : i32
    %c0_i32_1 = arith.constant 0 : i32
    return %c0_i32, %c0_i32_0 : i32, i32
  }
  func.func @transform_5(%arg0: i32) -> (i32, i32) {
    %c0_i32 = arith.constant 0 : i32
    %c0_i32_0 = arith.constant 0 : i32
    %c0_i32_1 = arith.constant 0 : i32
    return %c0_i32, %c0_i32_0 : i32, i32
  }
  func.func @transform_6(%arg0: i32) -> (i32, i32) {
    %c0_i32 = arith.constant 0 : i32
    %c0_i32_0 = arith.constant 0 : i32
    %c0_i32_1 = arith.constant 0 : i32
    return %c0_i32, %c0_i32_0 : i32, i32
  }
  func.func @transform_7(%arg0: i32) -> (i32, i32) {
    %c0_i32 = arith.constant 0 : i32
    %c0_i32_0 = arith.constant 0 : i32
    return %arg0, %c0_i32 : i32, i32
  }
}

</mosaic_0001>

<sc_bundles>
// kernel: kernel.4.cloned.1.call-start
scs
__scs_entry_jumppad:
0x0: {  	(pc) =	sbr.rel $0x88, $3  }
0x1: {  	(tag) =	ssettag $0x0;
	lr =	simm.s32 $0x1  }
0x2: {  	[smem:$0x3F9A] =	sst lr;
	_ =	strace $0xD0000000  }
0x3: {  	_ = 	snop  }
0x4: {  	_ = 	snop  }
0x5: {  	_ = 	snop  }
0x6: {  	_ = 	snop  }
0x7: {  	_ = 	snop  }
__scs_overlays_trampoline_lowered:
0x8: {  	[smem:$0x3FA9] =	sst s0  }
0x9: {  	[smem:$0x3FAA] =	sst s1  }
0xa: {  	[smem:$0x3FAB] =	sst s2  }
0xb: {  	[smem:$0x3FAC] =	sst s3  }
0xc: {  	[smem:$0x3FAD] =	sst s4  }
0xd: {  	[smem:$0x3FAE] =	sst s5  }
0xe: {  	[smem:$0x3FAF] =	sst s6  }
0xf: {  	[smem:$0x3FB0] =	sst s7  }
0x10: {  	[smem:$0x3FB1] =	sst s8  }
0x11: {  	[smem:$0x3FB2] =	sst s9;
	s0 =	simm.s32 @!p0 $0x0  }
0x12: {  	s1 =	sld [smem:$0x3F98];
	s0 =	simm.s32 @p0 $0x1  }
0x13: {  	[smem:$0x3FB3] =	sst s0;
	s0 =	simm.s32 @!p1 $0x0  }
0x14: {  	s2 =	sld [smem:$0x3F97];
	s0 =	simm.s32 @p1 $0x1  }
0x15: {  	[smem:$0x3FB4] =	sst s0;
	s0 =	simm.s32 @!p2 $0x0  }
0x16: {  	s3 =	sld [smem:$0x3FDB];
	s0 =	simm.s32 @p2 $0x1  }
0x17: {  	s4 =	simm.s32 $0x1BF5;
	[smem:$0x3FB6] =	sst s0  }
0x18: {  	s0 =	sld [smem:$0x3F99];
	_ =	swait.ge [sflag:s4], $0x0  }
0x19: {  	s7 =	sld [smem:$0x3F9A]  }
0x1a: {  	s8 =	sadd.s32 $0xFFFFE003, lr  }
0x1b: {  	s9 =	sadd.s32 $0xFFFFFEF7, lr;
	s5 =	simm.s32 $0xFFFFFFFF;
	p2 =	slt.u32 s8, $0xFFFFF086  }
0x1c: {  	p1 =	slt.u32 s9, $0xF7A;
	s5 =	simm.s32 @!p2 $0x0  }
0x1d: {  	s5 =	simm.s32 @p1 $0x1;
	p0 =	seq.s32 s7, s2  }
0x1e: {  	s7 =	smul.u32 @!p0 $0xF7A, s2;
	p2 =	seq.s32 @!p0 s5, $0x0  }
0x1f: {  	s9 =	smul.u32 $0xF7A, s1;
	s8 =	simm.s32 @!p0 $0x1BF5;
	p2 =	por !p2, p0  }
0x20: {  	[sflag:s8] =	ssyncset.s32 @!p0 $0xFFFFF086;
	s6 =	sadd.s32 @!p0 s3, s7;
	s7 =	simm.s32 @!p0 $0x108  }
0x21: {  	s3 =	sadd.s32 s3, s9;
	s6 =	sadd.s32 @!p0 $0x88, s6;
	s7 =	simm.s32 @p2 $0x1082  }
0x22: {  	[simem:s7], [sflag:s8] =	dma.local @!p0 [hbm:s6], $0xF7A  }
0x23: {  	s9 =	sor.u32 $0xD0000000, s2;
	s6 =	simm.s32 $0x108;
	_ =	swait.ge @!p0 [sflag:s8], $0x0  }
0x24: {  	s3 =	sadd.s32 $0x88, s3;
	s6 =	simm.s32 @!p1 $0x1082;
	[sflag:s4] =	ssyncset.s32 $0xFFFFF086  }
0x25: {  	[simem:s6], [sflag:s4] =	dma.local [hbm:s3], $0xF7A  }
0x26: {  	[smem:$0x3F9A] =	sst s1;
	(tag) =	ssettag s2;
	_ =	strace s9  }
0x27: {  	s1 =	sld [smem:$0x3FAA]  }
0x28: {  	s2 =	sld [smem:$0x3FAB]  }
0x29: {  	s4 =	sld [smem:$0x3FAD]  }
0x2a: {  	p0 =	seq.s32 s5, $0x0;
	s5 =	sld [smem:$0x3FAE]  }
0x2b: {  	s6 =	sld [smem:$0x3FAF]  }
0x2c: {  	s7 =	sld [smem:$0x3FB0]  }
0x2d: {  	s3 =	simm.s32 $0x108;
	s8 =	sld [smem:$0x3FB1]  }
0x2e: {  	s3 =	simm.s32 @!p0 $0x1082;
	s9 =	sld [smem:$0x3FB2]  }
0x2f: {  	lr =	sadd.s32 s0, s3;
	s0 =	sld [smem:$0x3FA9]  }
0x30: {  	s3 =	sld [smem:$0x3FAC]  }
0x31: {  	[smem:$0x3FB5] =	sst s10  }
0x32: {  	s10 =	sld [smem:$0x3FB3];
	_ =	sdelay $0x3  }
0x33: {  	p0 =	seq.s32 s10, $0x1;
	s10 =	sld [smem:$0x3FB5];
	_ =	sdelay $0x3  }
0x34: {  	[smem:$0x3FB5] =	sst s10  }
0x35: {  	s10 =	sld [smem:$0x3FB4];
	_ =	sdelay $0x3  }
0x36: {  	p1 =	seq.s32 s10, $0x1;
	s10 =	sld [smem:$0x3FB5];
	_ =	sdelay $0x3  }
0x37: {  	[smem:$0x3FB5] =	sst s10  }
0x38: {  	s10 =	sld [smem:$0x3FB6]  }
0x39: {  	_ = 	snop;
	(pc) =	sbr.ind lr, $3  }
0x3a: {  	_ = 	snop  }
0x3b: {  	_ = 	snop  }
0x3c: {  	p2 =	seq.s32 s10, $0x1;
	s10 =	sld [smem:$0x3FB5]  }
0x3d: {  	_ =	shalt  }
0x3e: {  	_ =	shalt  }
0x3f: {  	_ =	shalt  }
0x40: {  	_ =	shalt  }
0x41: {  	_ =	shalt  }
0x42: {  	_ =	shalt  }
0x43: {  	_ =	shalt  }
0x44: {  	_ =	shalt  }
0x45: {  	_ =	shalt  }
0x46: {  	_ =	shalt  }
0x47: {  	_ =	shalt  }
0x48: {  	_ =	shalt  }
0x49: {  	_ =	shalt  }
0x4a: {  	_ =	shalt  }
0x4b: {  	_ =	shalt  }
0x4c: {  	_ =	shalt  }
0x4d: {  	_ =	shalt  }
0x4e: {  	_ =	shalt  }
0x4f: {  	_ =	shalt  }
0x50: {  	_ =	shalt  }
0x51: {  	_ =	shalt  }
0x52: {  	_ =	shalt  }
0x53: {  	_ =	shalt  }
0x54: {  	_ =	shalt  }
0x55: {  	_ =	shalt  }
0x56: {  	_ =	shalt  }
0x57: {  	_ =	shalt  }
0x58: {  	_ =	shalt  }
0x59: {  	_ =	shalt  }
0x5a: {  	_ =	shalt  }
0x5b: {  	_ =	shalt  }
0x5c: {  	_ =	shalt  }
0x5d: {  	_ =	shalt  }
0x5e: {  	_ =	shalt  }
0x5f: {  	_ =	shalt  }
0x60: {  	_ =	shalt  }
0x61: {  	_ =	shalt  }
0x62: {  	_ =	shalt  }
0x63: {  	_ =	shalt  }
0x64: {  	_ =	shalt  }
0x65: {  	_ =	shalt  }
0x66: {  	_ =	shalt  }
0x67: {  	_ =	shalt  }
0x68: {  	_ =	shalt  }
0x69: {  	_ =	shalt  }
0x6a: {  	_ =	shalt  }
0x6b: {  	_ =	shalt  }
0x6c: {  	_ =	shalt  }
0x6d: {  	_ =	shalt  }
0x6e: {  	_ =	shalt  }
0x6f: {  	_ =	shalt  }
0x70: {  	_ =	shalt  }
0x71: {  	_ =	shalt  }
0x72: {  	_ =	shalt  }
0x73: {  	_ =	shalt  }
0x74: {  	_ =	shalt  }
0x75: {  	_ =	shalt  }
0x76: {  	_ =	shalt  }
0x77: {  	_ =	shalt  }
0x78: {  	_ =	shalt  }
0x79: {  	_ =	shalt  }
0x7a: {  	_ =	shalt  }
0x7b: {  	_ =	shalt  }
0x7c: {  	_ =	shalt  }
0x7d: {  	_ =	shalt  }
0x7e: {  	_ =	shalt  }
0x7f: {  	_ =	shalt  }
0x80: {  	_ =	shalt  }
0x81: {  	_ =	shalt  }
0x82: {  	_ =	shalt  }
0x83: {  	_ =	shalt  }
0x84: {  	_ =	shalt  }
0x85: {  	_ =	shalt  }
0x86: {  	_ =	shalt  }
0x87: {  	_ =	shalt  }
.Lfunc_end0:
.L_simem_size_0:
called_computation_lowered:
.L_overlay_start_0:
0x88: {  	s2 =	sld [smem:$0x3FD9]  }
0x89: {  	s3 =	sld [smem:$0x3FFE];
	_ =	sdelay $0x1  }
0x8a: {  	s1 =	srdreg.scid  }
0x8b: {  	s0 =	sand.u32 $0x1, s1  }
0x8c: {  	s17 =	sshll.u32 s0, $0xA;
	s2 =	sadd.s32 s3, s2  }
0x8d: {  	s2 =	sadd.s32 s2, s17  }
0x8e: {  	[smem:$0x3FC1] =	sst s2  }
0x8f: {  	_ = 	snop  }
0x90: {  	s2 =	sld [smem:$0x3FC9]  }
0x91: {  	s18 =	sld [smem:$0x3FD0];
	(tm) =	ssettm $0x1  }
0x92: {  	s4 =	sld [smem:$0x3FFB];
	_ =	sdelay $0x3  }
0x93: {  	_ =	strace s4  }
0x94: {  	s4 =	sld [smem:$0x3FFC];
	_ =	sdelay $0x3  }
0x95: {  	_ =	strace s4  }
0x96: {  	s4 =	sld [smem:$0x3FFD];
	_ =	sdelay $0x3  }
0x97: {  	_ =	strace s4  }
0x98: {  	_ =	strace $0x8FFFFFFF  }
0x99: {  	s19 =	sld [smem:$0x3FDB];
	_ =	sdelay $0x1  }
0x9a: {  	s5 =	simm.s32 $_scs_section_size  }
0x9b: {  	s6 =	simm.s32 $_size__tile_overlayer_lowered;
	s7 =	simm.s32 $_tile_overlayer_lowered  }
0x9c: {  	s22 =	simm.s32 $0x1BFF;
	s21 =	sshll.u32 s7, $0x1;
	s4 =	sadd.s32 s5, s19  }
0x9d: {  	s8 =	simm.s32 $0x0;
	s20 =	sshll.u32 s6, $0x1;
	s6 =	sadd.s32 s21, s4  }
0x9e: {  	[timem:s8], [sflag:s22] =	dma.local [hbm:s6], s20  }
0x9f: {  	_ =	swait.ge [sflag:s22], s20  }
0xa0: {  	s5 =	ssub.s32 $0x0, s20;
	[sflag:s22] =	ssyncset.done $0x0  }
0xa1: {  	[sflag:s22] =	ssyncadd.s32 s5;
	_ =	sdelay $0x1  }
0xa2: {  	s23 =	simm.s32 $0x1B8B  }
0xa3: {  	_ =	swait.ge [sflag:s23], $0x1  }
0xa4: {  	[sflag:s23] =	ssyncset.done $0x0  }
0xa5: {  	s25 =	simm.s32 $0x1B8E;
	s24 =	sld [smem:$0x3FFE];
	[sflag:s23] =	ssyncadd.s32 $0xFFFFFFFF  }
0xa6: {  	s26 =	simm.s32 $execute0_lowered;
	[smem:$0x3FD2] =	sst s25  }
0xa7: {  	s6 =	sshll.u32 s26, $0x1;
	_ =	strace $0x80000046;
	[dreg:$0x1] =	wrdreg $0xFFFFFFFF  }
0xa8: {  	s28 =	simm.s32 $_size_execute0_lowered;
	s4 =	sadd.s32 s4, s6;
	[dreg:$0x0] =	wrdreg $0x0  }
0xa9: {  	s6 =	sshll.u32 s28, $0x1;
	[dreg:$0x2] =	wrdreg s4  }
0xaa: {  	[dreg:$0x3] =	wrdreg s6  }
0xab: {  	[dreg:$0x4] =	wrdreg $0xC0  }
0xac: {  	_ =	task [dreg:s8], $0x5FFFF  }
0xad: {  	[dreg:$0x1] =	wrdreg $0xFFFFFFFF  }
0xae: {  	[dreg:$0x0] =	wrdreg $0x60  }
0xaf: {  	[dreg:$0x2] =	wrdreg s2  }
0xb0: {  	[dreg:$0x3] =	wrdreg s18  }
0xb1: {  	[dreg:$0x4] =	wrdreg s24  }
0xb2: {  	[dreg:$0x5] =	wrdreg $0xBC000  }
0xb3: {  	[dreg:$0x6] =	wrdreg $0x9  }
0xb4: {  	_ =	task.clear_ibuf [dreg:s8], $0x7FFFF;
	_ =	strace $0x90000046  }
0xb5: {  	s29 =	simm.s32 $0x9;
	_ =	strace $0x80000048  }
0xb6: {  	_ =	swait.ge [sflag:s29], $0x1  }
0xb7: {  	[sflag:s29] =	ssyncadd.s32 $0xFFFFFFFF  }
0xb8: {  	_ =	strace $0x90000048  }
0xb9: {  	_ =	sfence  }
0xba: {  	s30 =	sld [smem:$0x0];
	_ =	sdelay $0x2  }
0xbb: {  	s31 =	sshll.u32 s1, $0xD;
	s1 =	sshrl.u32 s1, $0x2  }
0xbc: {  	s3 =	sand.u32 $0x4000, s31;
	s1 =	sadd.s32 s1, s30  }
0xbd: {  	s0 =	sor.u32 s3, s0;
	s1 =	sshll.u32 s1, $0x11  }
0xbe: {  	s0 =	sor.u32 s1, s0  }
0xbf: {  	s0 =	sadd.s32 $0x8F2B, s0  }
0xc0: {  	[sflag:s0] =	ssyncadd.remote.s32 $0x1  }
0xc1: {  	_ =	sfence.sel $0xFFFF  }
0xc2: {  	[dreg:$0x0] =	wrdreg $0xFFFFFFFF;
	(pc) =	sbr.abs _section_cstart, $3  }
0xc3: {  	[dreg:$0x1] =	wrdreg $0xFFFFFFFF  }
0xc4: {  	_ =	task.clear_ibuf [dreg:s8], $0x2FFFF;
	_ =	strace $0x9FFFFFFF  }
0xc5: {  	(tm) =	ssettm $0x7FFFFFFF  }
tec
execute0_lowered:
.L_overlay_start_1:
0x0: {  	(tag) =	ssettag $0x1  }
0x1: {  	s1 =	rddreg [dreg:$0x0]  }
0x2: {  	s0 =	rddreg [dreg:$0x1]  }
0x3: {  	s2 =	srdreg.scid;
	s5 =	rddreg [dreg:$0x2]  }
0x4: {  	s15 =	stileid.u32;
	s3 =	rddreg [dreg:$0x3]  }
0x5: {  	s17 =	simm.s32 $0x2800;
	s18 =	simm.s32 $0x80;
	s19 =	simm.s32 $0x3C00  }
0x6: {  	s20 =	simm.s32 $0x7C00;
	s21 =	simm.s32 $0x3;
	s22 =	simm.s32 $0x2  }
0x7: {  	s24 =	simm.s32 $0x4;
	s30 =	simm.s32 $0x0;
	s7 =	smul.u32 $0x4E000, s15  }
0x8: {  	s2 =	sand.u32 $0x1, s2;
	s4 =	sshll.u32 s15, $0x1;
	s9 =	smul.u32 $0x13800, s15  }
0x9: {  	s11 =	sadd.s32 $0x15000, s5;
	s29 =	sshll.u32 s15, $0x6;
	s16 =	sadd.s32 $0x138000, s3  }
0xa: {  	p0 =	sne.s32 s15, $0xF;
	s15 =	simm.s32 $0x5;
	s6 =	sor.u32 s2, s4  }
0xb: {  	s4 =	simm.s32 $0x0;
	s25 =	ssub.s32 $0x2, s2;
	s2 =	smul.u32 $0x138800, s2  }
0xc: {  	s16 =	sshrl.u32 @!p0 s16, $0x3;
	s6 =	smul.u32 $0x2800, s6;
	[smem:$0x7FF] =	sst s4  }
0xd: {  	s26 =	sshrl.u32 s25, $0x1;
	s7 =	sshrl.u32 s7, $0x2;
	s28 =	sshrl.u32 s9, $0x3  }
0xe: {  	_ =	strace $0x80000047;
	s13 =	ssub.s32 s25, s26;
	s14 =	sadd.s32 s7, s3  }
0xf: {  	s7 =	sadd.s32 $0x27000, s0;
	s31 =	sadd.s32 s9, s2;
	s2 =	sshrl.u32 s2, $0x3  }
0x10: {  	s25 =	simm.s32 $0x1;
	s6 =	sshrl.u32 s6, $0x3;
	s2 =	sadd.s32 s11, s2  }
0x11: {  	s13 =	smax.u32 s13, $0x1;
	s14 =	sshrl.u32 s14, $0x3;
	s10 =	sadd.s32 s6, s5  }
0x12: {  	s5 =	sadd.s32 s0, s28;
	s6 =	sor.u32 $0x1C05, s29;
	s0 =	sshrl.u32 s31, $0x3  }
0x13: {  	s12 =	sadd.s32 $0x27000, s2;
	[dreg:$0x5] =	wrdreg s5;
	s8 =	sadd.s32 $0x1000, s10  }
0x14: {  	s9 =	sadd.s32 $0xB000, s10;
	s10 =	sadd.s32 $0xB280, s10;
	s11 =	sadd.s32 s11, s0  }
.LBB2_1:
0x15: {  	s0 =	rddreg [dreg:$0x5]  }
0x16: {  	[spmem:s14], [sflag:s6] =	dma.local [hbm:s0], $0x2700  }
0x17: {  	_ =	swait.ge [sflag:s15], $0x2700  }
0x18: {  	[sflag:s15] =	ssyncset.done $0x0  }
0x19: {  	s0 =	simm.s32 @!p0 $0x5;
	[sflag:s15] =	ssyncadd.s32 $0xFFFFD900  }
0x1a: {  	[spmem:s16], [sflag:s6] =	dma.local @!p0 [hbm:s7], $0x100  }
0x1b: {  	_ =	swait.ge @!p0 [sflag:s0], $0x100  }
0x1c: {  	[sflag:s0] =	ssyncset.done @!p0 $0x0  }
0x1d: {  	[sflag:s0] =	ssyncadd.s32 @!p0 $0xFFFFFF00  }
0x1e: {  	[tilespmem:s4], [sflag:$0x5] =	stream.linear.gather [hbm4b:s8+s4], $0x2800, $0x38;
	[tilespmem:$0x1F480] =	vst v63  }
0x1f: {  	_ =	swait.ge [sflag:s15], $0x2800  }
0x20: {  	[sflag:s15] =	ssyncset.done $0x0  }
0x21: {  	[sflag:s15] =	ssyncadd.s32 $0xFFFFD800  }
0x22: {  	[tilespmem:s17], [sflag:$0x5] =	stream.linear.gather [hbm4b:s9+s4], $0x1400, $0x38;
	[tilespmem:$0x1F480] =	vst v63  }
0x23: {  	_ =	swait.ge [sflag:s15], $0x1400  }
0x24: {  	[sflag:s15] =	ssyncset.done $0x0  }
0x25: {  	[sflag:s15] =	ssyncadd.s32 $0xFFFFEC00  }
0x26: {  	[bflag:$0x0] =	sbarrier.arrive $0xFFFF  }
0x27: {  	[tilespmem:s19], [sflag:$0x1] =	stream.indirect.gather [hbm4b:s1+s18], $0x80, s4, s18, $0xb8;
	[tilespmem:$0x1F480] =	vst v63  }
0x28: {  	_ = 	snop  }
0x29: {  	[tilespmem:s20], [sflag:$0x2] =	stream.indirect.gather [hbm4b:s1+s18], $0x80, s18, s18, $0xb8;
	[tilespmem:$0x1F480] =	vst v63  }
0x2a: {  	_ =	swait.ge [sflag:s25], $0x4000  }
0x2b: {  	[sflag:s25] =	ssyncset.done $0x0  }
0x2c: {  	[sflag:s25] =	ssyncadd.s32 $0xFFFFC000  }
0x2d: {  	[spmem:s3] =	stream.indirect.scatter.add.f32 [tilespmem:s19], [sflag:$0x3], $0x80, s17, s18, $0xb8;
	[tilespmem:$0x1F480] =	vst v63  }
0x2e: {  	_ =	swait.ge [sflag:s21], $0x4000  }
0x2f: {  	[sflag:s21] =	ssyncset.done $0x0  }
0x30: {  	s0 =	simm.s32 $0x100;
	[sflag:s21] =	ssyncadd.s32 $0xFFFFC000  }
0x31: {  	[tilespmem:s19], [sflag:$0x1] =	stream.indirect.gather [hbm4b:s1+s18], $0x80, s0, s18, $0xb8;
	[tilespmem:$0x1F480] =	vst v63  }
0x32: {  	_ =	swait.ge [sflag:s22], $0x4000  }
0x33: {  	[sflag:s22] =	ssyncset.done $0x0  }
0x34: {  	s2 =	simm.s32 $0x2880;
	[sflag:s22] =	ssyncadd.s32 $0xFFFFC000  }
0x35: {  	[spmem:s3] =	stream.indirect.scatter.add.f32 [tilespmem:s20], [sflag:$0x4], $0x80, s2, s18, $0xb8;
	[tilespmem:$0x1F480] =	vst v63  }
0x36: {  	_ =	swait.ge [sflag:s24], $0x4000  }
0x37: {  	[sflag:s24] =	ssyncset.done $0x0  }
0x38: {  	s28 =	simm.s32 $0x180;
	[sflag:s24] =	ssyncadd.s32 $0xFFFFC000  }
0x39: {  	[tilespmem:s20], [sflag:$0x2] =	stream.indirect.gather [hbm4b:s1+s18], $0x80, s28, s18, $0xb8;
	[tilespmem:$0x1F480] =	vst v63  }
0x3a: {  	_ =	swait.ge [sflag:s25], $0x4000  }
0x3b: {  	p1 =	por $0x1, $0x1;
	[sflag:s25] =	ssyncset.done $0x0  }
0x3c: {  	s23 =	simm.s32 @!p1 $0x2800;
	s2 =	simm.s32 @!p1 $0x0;
	[sflag:s25] =	ssyncadd.s32 $0xFFFFC000  }
0x3d: {  	[tilespmem:s23], [sflag:$0x5] =	stream.linear.gather @!p1 [hbm4b:s10+s2], $0x1400, $0x38;
	[tilespmem:$0x1F480] =	vst v63  }
0x3e: {  	s2 =	simm.s32 @!p1 $0x5  }
0x3f: {  	p2 =	por $0x0, $0x0;
	s23 =	simm.s32 $0xFFFFED00;
	_ =	swait.ge @!p1 [sflag:s2], $0x1400  }
0x40: {  	s0 =	smov.u32 @p2 s23;
	[sflag:s2] =	ssyncset.done @!p1 $0x0  }
0x41: {  	s29 =	simm.s32 $0x200;
	s0 =	sadd.s32 $0x2800, s0;
	[sflag:s2] =	ssyncadd.s32 @!p1 $0xFFFFEC00  }
0x42: {  	[spmem:s3] =	stream.indirect.scatter.add.f32 [tilespmem:s19], [sflag:$0x3], $0x80, s0, s18, $0xb8;
	[tilespmem:$0x1F480] =	vst v63  }
0x43: {  	s2 =	simm.s32 $0x3;
	s0 =	simm.s32 $0x7FFFDB;
	_ =	swait.ge [sflag:s21], $0x4000  }
0x44: {  	s31 =	simm.s32 $0x200;
	s2 =	smov.u32 @p2 s0;
	[sflag:s21] =	ssyncset.done $0x0  }
0x45: {  	s23 =	simm.s32 $0x1;
	s0 =	sshll.u32 s2, $0x9;
	[sflag:s21] =	ssyncadd.s32 $0xFFFFC000  }
0x46: {  	[tilespmem:s19], [sflag:$0x1] =	stream.indirect.gather [hbm4b:s1+s18], $0x80, s29, s18, $0xb8;
	[tilespmem:$0x1F480] =	vst v63  }
0x47: {  	s2 =	simm.s32 $0x7FFFDD;
	s0 =	sshra.s32 s0, $0x2;
	_ =	swait.ge [sflag:s22], $0x4000  }
0x48: {  	s26 =	sadd.s32 $0x2800, s0;
	s0 =	simm.s32 $0x300;
	[sflag:s22] =	ssyncset.done $0x0  }
.LBB2_2:
0x49: {  	[sflag:s22] =	ssyncadd.s32 $0xFFFFC000  }
0x4a: {  	s23 =	sadd.s32 $0x1, s23;
	s28 =	smov.u32 s31;
	s31 =	sadd.s32 $0x100, s31  }
0x4b: {  	[spmem:s3] =	stream.indirect.scatter.add.f32 [tilespmem:s20], [sflag:$0x4], $0x80, s26, s18, $0xb8;
	[tilespmem:$0x1F480] =	vst v63  }
0x4c: {  	p1 =	sne.s32 s31, $0x2700;
	_ =	swait.ge [sflag:s24], $0x4000  }
0x4d: {  	[sflag:s24] =	ssyncset.done $0x0  }
0x4e: {  	s26 =	sadd.s32 $0xFFFFFF80, s0;
	[sflag:s24] =	ssyncadd.s32 $0xFFFFC000  }
0x4f: {  	[tilespmem:s20], [sflag:$0x2] =	stream.indirect.gather [hbm4b:s1+s18], $0x80, s26, s18, $0xb8;
	[tilespmem:$0x1F480] =	vst v63  }
0x50: {  	_ =	swait.ge [sflag:s25], $0x4000  }
0x51: {  	p2 =	sne.s32 s28, $0x1400;
	s26 =	sadd.s32 $0xFF800028, s2;
	[sflag:s25] =	ssyncset.done $0x0  }
0x52: {  	s29 =	simm.s32 @!p2 $0x0;
	s5 =	simm.s32 @!p2 $0x2800;
	[sflag:s25] =	ssyncadd.s32 $0xFFFFC000  }
0x53: {  	[tilespmem:s5], [sflag:$0x5] =	stream.linear.gather @!p2 [hbm4b:s10+s29], $0x1400, $0x38;
	[tilespmem:$0x1F480] =	vst v63  }
0x54: {  	p3 =	sgt.u32 s23, $0x13;
	s5 =	simm.s32 @!p2 $0x5;
	s29 =	sadd.s32 $0xFFFFEC00, s28  }
0x55: {  	s26 =	smov.u32 @p3 s2;
	s28 =	smov.u32 @p3 s29;
	_ =	swait.ge @!p2 [sflag:s5], $0x1400  }
0x56: {  	s26 =	sshll.u32 s26, $0x9;
	s28 =	sadd.s32 $0x2800, s28;
	[sflag:s5] =	ssyncset.done @!p2 $0x0  }
0x57: {  	[sflag:s5] =	ssyncadd.s32 @!p2 $0xFFFFEC00;
	s5 =	sshra.s32 s26, $0x2  }
0x58: {  	[spmem:s3] =	stream.indirect.scatter.add.f32 [tilespmem:s19], [sflag:$0x3], $0x80, s28, s18, $0xb8;
	[tilespmem:$0x1F480] =	vst v63  }
0x59: {  	_ =	swait.ge [sflag:s21], $0x4000  }
.Ltmp0:
0x5a: {  	[sflag:s21] =	ssyncset.done $0x0;
	(pc) =	sbr.rel @p1 .LBB2_2-.Ltmp0, $4  }
0x5b: {  	[sflag:s21] =	ssyncadd.s32 $0xFFFFC000  }
0x5c: {  	[tilespmem:s19], [sflag:$0x1] =	stream.indirect.gather [hbm4b:s1+s18], $0x80, s0, s18, $0xb8;
	[tilespmem:$0x1F480] =	vst v63  }
0x5d: {  	s2 =	sadd.s32 $0x2, s2;
	_ =	swait.ge [sflag:s22], $0x4000  }
0x5e: {  	s26 =	sadd.s32 $0x2800, s5;
	s0 =	sadd.s32 $0x100, s0;
	[sflag:s22] =	ssyncset.done $0x0  }
0x5f: {  	[sflag:s22] =	ssyncadd.s32 $0xFFFFC000  }
0x60: {  	[spmem:s3] =	stream.indirect.scatter.add.f32 [tilespmem:s20], [sflag:$0x4], $0x80, s26, s18, $0xb8;
	[tilespmem:$0x1F480] =	vst v63  }
0x61: {  	_ =	swait.ge [sflag:s24], $0x4000  }
0x62: {  	[sflag:s24] =	ssyncset.done $0x0  }
0x63: {  	s0 =	simm.s32 $0x2780;
	[sflag:s24] =	ssyncadd.s32 $0xFFFFC000  }
0x64: {  	[tilespmem:s20], [sflag:$0x2] =	stream.indirect.gather [hbm4b:s1+s18], $0x80, s0, s18, $0xb8;
	[tilespmem:$0x1F480] =	vst v63  }
0x65: {  	_ =	swait.ge [sflag:s25], $0x4000  }
0x66: {  	[sflag:s25] =	ssyncset.done $0x0  }
0x67: {  	s29 =	simm.s32 $0x3B00;
	[sflag:s25] =	ssyncadd.s32 $0xFFFFC000  }
0x68: {  	[spmem:s3] =	stream.indirect.scatter.add.f32 [tilespmem:s19], [sflag:$0x3], $0x80, s29, s18, $0xb8;
	[tilespmem:$0x1F480] =	vst v63  }
0x69: {  	_ =	swait.ge [sflag:s22], $0x4000  }
0x6a: {  	[sflag:s22] =	ssyncset.done $0x0  }
0x6b: {  	s31 =	simm.s32 $0x3B80;
	[sflag:s22] =	ssyncadd.s32 $0xFFFFC000  }
0x6c: {  	[spmem:s3] =	stream.indirect.scatter.add.f32 [tilespmem:s20], [sflag:$0x4], $0x80, s31, s18, $0xb8;
	[tilespmem:$0x1F480] =	vst v63  }
0x6d: {  	_ =	swait.ge [sflag:s21], $0x4000  }
0x6e: {  	[sflag:s21] =	ssyncset.done $0x0  }
0x6f: {  	[sflag:s21] =	ssyncadd.s32 $0xFFFFC000  }
0x70: {  	_ =	swait.ge [sflag:s24], $0x4000  }
0x71: {  	[sflag:s24] =	ssyncset.done $0x0  }
0x72: {  	[sflag:s24] =	ssyncadd.s32 $0xFFFFC000  }
0x73: {  	[bflag:$0x0] =	sbarrier.arrive $0xFFFF  }
0x74: {  	[hbm:s11], [sflag:s6] =	dma.local [spmem:s14], $0x2700  }
0x75: {  	s30 =	sadd.s32 $0x1, s30;
	_ =	swait.ge [sflag:s15], $0x2700  }
0x76: {  	p1 =	sne.s32 s30, s13;
	[sflag:s15] =	ssyncset.done $0x0  }
.Ltmp1:
0x77: {  	s0 =	simm.s32 @!p0 $0x5;
	[sflag:s15] =	ssyncadd.s32 $0xFFFFD900;
	(pc) =	sbr.rel @p1 .LBB2_1-.Ltmp1, $4  }
0x78: {  	[hbm:s12], [sflag:s6] =	dma.local @!p0 [spmem:s16], $0x100  }
0x79: {  	_ =	swait.ge @!p0 [sflag:s0], $0x100  }
0x7a: {  	[sflag:s0] =	ssyncset.done @!p0 $0x0  }
0x7b: {  	[sflag:s0] =	ssyncadd.s32 @!p0 $0xFFFFFF00  }
0x7c: {  	_ =	sfence.sel $0x180000  }
0x7d: {  	[bflag:$0x0] =	sbarrier.arrive $0xFFFF  }
0x7e: {  	_ =	strace $0x90000047  }
0x7f: {  	s0 =	stileid.u32;
	[bflag:$0x2] =	sbarrier.arrive $0xFFFF  }
0x80: {  	p0 =	sne.s32 s0, $0x0;
	s0 =	rddreg [dreg:$0x4]  }
0x81: {  	s0 =	sadd.s32 @!p0 $0x100000, s0  }
0x82: {  	[sflag:s0] =	ssyncadd.tile.s32 @!p0 $0x1;
	_ =	shalt  }
.Lfunc_end2:
_tile_overlayer_lowered:
.L_overlay_start_2:
0x83: {  	(tag) =	ssettag $0x2  }
0x84: {  	s0 =	rddreg [dreg:$0x0];
	s2 =	stileid.u32  }
0x85: {  	s1 =	rddreg [dreg:$0x1];
	p0 =	sne.s32 s2, $0x0  }
0x86: {  	s3 =	rddreg [dreg:$0x2];
	[bflag:$0x3] =	sbarrier.arrive $0xFFFF;
	s2 =	simm.s32 @!p0 $0x1C05  }
0x87: {  	[timem:s3], [sflag:s2] =	dma.local @!p0 [hbm:s0], s1  }
0x88: {  	s0 =	simm.s32 @!p0 $0x5  }
0x89: {  	_ =	swait.ge @!p0 [sflag:s0], s1  }
0x8a: {  	s1 =	ssub.s32 @!p0 $0x0, s1;
	[sflag:s0] =	ssyncset.done @!p0 $0x0  }
0x8b: {  	[sflag:s0] =	ssyncadd.s32 @!p0 s1  }
0x8c: {  	[bflag:$0x3] =	sbarrier.arrive $0xFFFF  }
0x8d: {  	_ =	shalt  }

</sc_bundles>
